<compile_context>
chip_gen: v7x
topology: tpu7x:2x2x1
jax: 0.10.2.dev20260603
libtpu: 0.0.44.dev20260713+nightly
codegen_flags: <defaults>
</compile_context>

<pallas_src>
import functools

import jax
import jax.numpy as jnp
from jax import lax
from jax.experimental import pallas as pl
from jax.experimental.pallas import tpu as pltpu
from jax.experimental.pallas import tpu_sc as plsc

N = 10000
D = 128
B = 128

try:
    _info = plsc.get_sparse_core_info()
    NC, NS = _info.num_cores, _info.num_subcores
except Exception:
    NC, NS = 2, 16
NW = NC * NS

CHUNK = (N // (NW * 8)) * 8
REM = N - NW * CHUNK
assert 0 <= REM <= 128 and REM % 8 == 0

GROUPS = [16, CHUNK - 16 - 2 * 104, 104, 104]
assert sum(GROUPS) == CHUNK and all(g % 8 == 0 and 0 < g <= 128 for g in GROUPS)
OFFS = [sum(GROUPS[:i]) for i in range(len(GROUPS))]
NGROUPS = len(GROUPS)

ROWS_PER_SUB = B // NS

NROWS = (N + 127) // 128
NPAD = NROWS * 128


def _sc_segment_sum(x, batch):

    @functools.partial(
        pl.kernel,
        mesh=plsc.VectorSubcoreMesh(core_axis_name="c", subcore_axis_name="s"),
        compiler_params=pltpu.CompilerParams(use_tc_tiling_on_sc=True),
        out_type=jax.ShapeDtypeStruct((NC * B, D), jnp.float32),
        scratch_types=[
            pltpu.VMEM((CHUNK, D), jnp.float32),
            pltpu.VMEM((1, GROUPS[0]), jnp.int32),
            pltpu.VMEM((1, GROUPS[1]), jnp.int32),
            pltpu.VMEM((2, GROUPS[2]), jnp.int32),
            pltpu.VMEM((max(REM, 8), D), jnp.float32),
            pltpu.VMEM((1, max(REM, 8)), jnp.int32),
            pltpu.VMEM((ROWS_PER_SUB, D), jnp.float32),
            pltpu.VMEM_SHARED((B, D), jnp.float32),
            pltpu.SemaphoreType.DMA,
            pltpu.SemaphoreType.DMA,
            pltpu.SemaphoreType.DMA,
            pltpu.SemaphoreType.DMA,
            pltpu.SemaphoreType.DMA,
            pltpu.SemaphoreType.DMA,
        ],
    )
    def k(x_hbm, batch_hbm, out_hbm,
          xbuf, idxb0, idxb1, idxbuf, xrem, idxrem, zbuf, acc,
          sem0, sem1, sem2, sem3, semi, semz):
        c = lax.axis_index("c")
        s = lax.axis_index("s")
        wid = s * NC + c
        base = wid * CHUNK

        sems = [sem0, sem1, sem2, sem3]
        assert NGROUPS == len(sems)
        idxrefs = [idxb0.at[0], idxb1.at[0], idxbuf.at[0], idxbuf.at[1]]

        icopies = [
            pltpu.async_copy(
                batch_hbm.at[pl.ds(base + OFFS[g], GROUPS[g])],
                idxrefs[g],
                semi,
            )
            for g in range(NGROUPS)
        ]

        zvec = jnp.zeros((16,), jnp.float32)
        for r in range(ROWS_PER_SUB):
            for ch in range(D // 16):
                zbuf[r, pl.ds(ch * 16, 16)] = zvec
        row = s * ROWS_PER_SUB
        zc0 = pltpu.async_copy(zbuf, acc.at[pl.ds(row, ROWS_PER_SUB)], semz)

        xcopies = [
            pltpu.async_copy(
                x_hbm.at[pl.ds(base + OFFS[g], GROUPS[g])],
                xbuf.at[pl.ds(OFFS[g], GROUPS[g])],
                sems[g],
            )
            for g in range(NGROUPS)
        ]

        if REM:
            @pl.when(wid == 0)
            def _():
                pltpu.async_copy(
                    batch_hbm.at[pl.ds(NW * CHUNK, REM)],
                    idxrem.at[0, pl.ds(0, REM)],
                    semi,
                )
                pltpu.async_copy(
                    x_hbm.at[pl.ds(NW * CHUNK, REM)],
                    xrem.at[pl.ds(0, REM)],
                    sem1,
                )

        for cp in icopies:
            cp.wait()
        zc0.wait()
        plsc.subcore_barrier()

        scopies = []
        for g in range(NGROUPS):
            xcopies[g].wait()
            scopies.append(
                pltpu.async_copy(
                    xbuf.at[pl.ds(OFFS[g], GROUPS[g])],
                    acc.at[idxrefs[g]],
                    semz,
                    add=True,
                )
            )

        if REM:
            @pl.when(wid == 0)
            def _():
                pltpu.make_async_copy(
                    batch_hbm.at[pl.ds(NW * CHUNK, REM)],
                    idxrem.at[0, pl.ds(0, REM)],
                    semi,
                ).wait()
                pltpu.make_async_copy(
                    x_hbm.at[pl.ds(NW * CHUNK, REM)],
                    xrem.at[pl.ds(0, REM)],
                    sem1,
                ).wait()
                pltpu.sync_copy(
                    xrem.at[pl.ds(0, REM)],
                    acc.at[idxrem.at[0, pl.ds(0, REM)]],
                    add=True,
                )

        for cp in scopies:
            cp.wait()

        plsc.subcore_barrier()

        pltpu.sync_copy(
            acc.at[pl.ds(row, ROWS_PER_SUB)],
            out_hbm.at[pl.ds(c * B + row, ROWS_PER_SUB)],
        )

    return k(x, batch)


def _tc_counts(batch2d):

    def body(bat_ref, o_ref):
        seg = lax.broadcasted_iota(jnp.int32, (B, 128), 0)

        def step(r, acc):
            eq = (bat_ref[pl.ds(r, 1), :] == seg).astype(jnp.float32)
            return acc + eq

        accm = lax.fori_loop(
            0, NROWS, step, jnp.zeros((B, 128), jnp.float32)
        )
        o_ref[...] = jnp.sum(accm, axis=1, keepdims=True)

    return pl.pallas_call(
        body,
        out_shape=jax.ShapeDtypeStruct((B, 1), jnp.float32),
    )(batch2d)


def _tc_finish(partials, counts, u, w, bias):

    def body(p_ref, c_ref, u_ref, w_ref, b_ref, o_ref):
        sums = p_ref[pl.ds(0, B), :] + p_ref[pl.ds(B, B), :]
        mean = sums / jnp.maximum(c_ref[...], 1.0)
        out = lax.dot_general(
            u_ref[...], w_ref[:, pl.ds(0, D)],
            (((1,), (1,)), ((), ())), preferred_element_type=jnp.float32,
        )
        out = out + lax.dot_general(
            mean, w_ref[:, pl.ds(D, D)],
            (((1,), (1,)), ((), ())), preferred_element_type=jnp.float32,
        )
        out = out + b_ref[...]
        o_ref[...] = jnp.maximum(out, 0.0)

    return pl.pallas_call(
        body,
        out_shape=jax.ShapeDtypeStruct((B, D), jnp.float32),
    )(partials, counts, u, w, bias)


@jax.jit
def kernel(x, edge_index, edge_attr, u, batch, W, b):
    del edge_index, edge_attr
    batch = batch.astype(jnp.int32)
    partials = _sc_segment_sum(x, batch)
    batch2d = jnp.pad(batch, (0, NPAD - N), constant_values=B + 1).reshape(
        NROWS, 128
    )
    counts = _tc_counts(batch2d)
    bias = b.reshape(1, D)
    return _tc_finish(partials, counts, u, W, bias)

# --- scband reference (transcript-rebuilt; emitter-appended) ---
"""Pipeline reference for scband-global-model-17806934409782 (READ-ONLY COPY).

The authoritative reference and input builder live on the scoring server;
editing this copy changes nothing except your own understanding.
"""

import jax, jax.numpy as jnp
import numpy as np

N = 10000
E = 160000
D = 128
B = 128
D_EDGE = 4
IN_DIM = 256
OUT_DIM = 128

def setup_inputs(seed: int = 0) -> dict:
    key = jax.random.key(seed)
    ks = jax.random.split(key, 8)
    x = jax.random.normal(ks[0], (N, D), dtype=jnp.float32)
    edge_index = jax.random.randint(ks[1], (2, E), 0, N)
    edge_attr = jax.random.normal(ks[2], (E, D_EDGE), dtype=jnp.float32)
    u = jax.random.normal(ks[3], (B, D), dtype=jnp.float32)
    batch = jnp.sort(jax.random.randint(ks[4], (N,), 0, B))
    W = jax.random.normal(ks[5], (OUT_DIM, IN_DIM), dtype=jnp.float32) * 0.05
    b = jnp.zeros((OUT_DIM,), dtype=jnp.float32)
    return {"x": x, "edge_index": edge_index, "edge_attr": edge_attr, "u": u, "batch": batch, "W": W, "b": b}

def reference(x, edge_index, edge_attr, u, batch, W, b):
    num_graphs = u.shape[0]
    # scatter(x, batch, dim=0, reduce='mean')
    sums = jax.ops.segment_sum(x, batch, num_segments=num_graphs)
    counts = jax.ops.segment_sum(jnp.ones((x.shape[0], 1), dtype=x.dtype), batch, num_segments=num_graphs)
    mean = sums / jnp.maximum(counts, 1.0)
    out = jnp.concatenate([u, mean], axis=1)
    # Linear + ReLU
    out = out @ W.T + b
    return jax.nn.relu(out)

if __name__ == "__main__":
    import jax
    _d = setup_inputs()
    print(jax.jit(kernel)(*tuple(_d.values())))

</pallas_src>

<mosaic_0001>
#map = affine_map<(d0, d1) -> (0, 0)>
#map1 = affine_map<(d0, d1) -> (0)>
module attributes {stable_mosaic.version = 14 : i64} {
  func.func @k(%arg0: i32, %arg1: i32, %arg2: memref<10000x128xf32, #tpu.memory_space<hbm>>, %arg3: memref<10000xi32, #tpu.memory_space<hbm>>, %arg4: memref<256x128xf32, #tpu.memory_space<hbm>>, %arg5: memref<312x128xf32, #tpu.memory_space<vmem>>, %arg6: memref<1x16xi32, #tpu.memory_space<vmem>>, %arg7: memref<1x88xi32, #tpu.memory_space<vmem>>, %arg8: memref<2x104xi32, #tpu.memory_space<vmem>>, %arg9: memref<16x128xf32, #tpu.memory_space<vmem>>, %arg10: memref<1x16xi32, #tpu.memory_space<vmem>>, %arg11: memref<8x128xf32, #tpu.memory_space<vmem>>, %arg12: memref<128x128xf32, #tpu.memory_space<vmem_shared>>, %arg13: memref<!tpu.dma_semaphore, #tpu.memory_space<semaphore_mem>>, %arg14: memref<!tpu.dma_semaphore, #tpu.memory_space<semaphore_mem>>, %arg15: memref<!tpu.dma_semaphore, #tpu.memory_space<semaphore_mem>>, %arg16: memref<!tpu.dma_semaphore, #tpu.memory_space<semaphore_mem>>, %arg17: memref<!tpu.dma_semaphore, #tpu.memory_space<semaphore_mem>>, %arg18: memref<!tpu.dma_semaphore, #tpu.memory_space<semaphore_mem>>) attributes {dimension_semantics = [#tpu.dimension_semantics<core_parallel>, #tpu.dimension_semantics<subcore_parallel>], iteration_bounds = array<i64: 2, 16>, scalar_prefetch = 0 : i64, scratch_operands = 14 : i64, tpu.core_type = #tpu.core_type<sc_vector_subcore>, window_params = [{transform_indices = #map}, {transform_indices = #map1}, {transform_indices = #map}]} {
    %mul3A = arith.constant 2 : i32
    %mul3A_0 = arith.muli %arg1, %mul3A : i32
    %add3A = arith.addi %mul3A_0, %arg0 : i32
    %mul3A_1 = arith.constant 312 : i32
    %mul3A_2 = arith.muli %add3A, %mul3A_1 : i32
    %add3A_3 = arith.constant 0 : i32
    %add3A_4 = arith.addi %mul3A_2, %add3A_3 : i32
    %dma_start3A = arith.constant 0 : i32
    %dma_start3A_5 = arith.constant 0 : i32
    %dma_start3A_6 = tpu.memref_slice %arg6[%dma_start3A, %dma_start3A_5] : memref<1x16xi32, #tpu.memory_space<vmem>> -> memref<1x16xi32, #tpu.memory_space<vmem>>
    %dma_start3A_7 = tpu.memref_squeeze %dma_start3A_6 : memref<1x16xi32, #tpu.memory_space<vmem>> -> memref<16xi32, #tpu.memory_space<vmem>>
    %dma_start3A_8 = tpu.memref_slice %arg3[%add3A_4] : memref<10000xi32, #tpu.memory_space<hbm>> -> memref<16xi32, #tpu.memory_space<hbm>>
    %dma_start3A_9 = arith.constant 0 : i32
    %dma_start3A_10 = tpu.memref_slice %arg6[%dma_start3A, %dma_start3A_9] : memref<1x16xi32, #tpu.memory_space<vmem>> -> memref<1x16xi32, #tpu.memory_space<vmem>>
    %dma_start3A_11 = tpu.memref_squeeze %dma_start3A_10 : memref<1x16xi32, #tpu.memory_space<vmem>> -> memref<16xi32, #tpu.memory_space<vmem>>
    %dma_start3A_12 = tpu.memref_slice %arg3[%add3A_4] : memref<10000xi32, #tpu.memory_space<hbm>> -> memref<16xi32, #tpu.memory_space<hbm>>
    tpu.enqueue_dma source(%dma_start3A_12 : memref<16xi32, #tpu.memory_space<hbm>>) target(%dma_start3A_11 : memref<16xi32, #tpu.memory_space<vmem>>) target_semaphore(%arg17 : memref<!tpu.dma_semaphore, #tpu.memory_space<semaphore_mem>>)
    %add3A_13 = arith.constant 16 : i32
    %add3A_14 = arith.addi %mul3A_2, %add3A_13 : i32
    %dma_start3A_15 = arith.constant 0 : i32
    %dma_start3A_16 = arith.constant 0 : i32
    %dma_start3A_17 = tpu.memref_slice %arg7[%dma_start3A_15, %dma_start3A_16] : memref<1x88xi32, #tpu.memory_space<vmem>> -> memref<1x88xi32, #tpu.memory_space<vmem>>
    %dma_start3A_18 = tpu.memref_squeeze %dma_start3A_17 : memref<1x88xi32, #tpu.memory_space<vmem>> -> memref<88xi32, #tpu.memory_space<vmem>>
    %dma_start3A_19 = tpu.memref_slice %arg3[%add3A_14] : memref<10000xi32, #tpu.memory_space<hbm>> -> memref<88xi32, #tpu.memory_space<hbm>>
    %dma_start3A_20 = arith.constant 0 : i32
    %dma_start3A_21 = tpu.memref_slice %arg7[%dma_start3A_15, %dma_start3A_20] : memref<1x88xi32, #tpu.memory_space<vmem>> -> memref<1x88xi32, #tpu.memory_space<vmem>>
    %dma_start3A_22 = tpu.memref_squeeze %dma_start3A_21 : memref<1x88xi32, #tpu.memory_space<vmem>> -> memref<88xi32, #tpu.memory_space<vmem>>
    %dma_start3A_23 = tpu.memref_slice %arg3[%add3A_14] : memref<10000xi32, #tpu.memory_space<hbm>> -> memref<88xi32, #tpu.memory_space<hbm>>
    tpu.enqueue_dma source(%dma_start3A_23 : memref<88xi32, #tpu.memory_space<hbm>>) target(%dma_start3A_22 : memref<88xi32, #tpu.memory_space<vmem>>) target_semaphore(%arg17 : memref<!tpu.dma_semaphore, #tpu.memory_space<semaphore_mem>>)
    %add3A_24 = arith.constant 104 : i32
    %add3A_25 = arith.addi %mul3A_2, %add3A_24 : i32
    %dma_start3A_26 = arith.constant 0 : i32
    %dma_start3A_27 = arith.constant 0 : i32
    %dma_start3A_28 = tpu.memref_slice %arg8[%dma_start3A_26, %dma_start3A_27] : memref<2x104xi32, #tpu.memory_space<vmem>> -> memref<1x104xi32, #tpu.memory_space<vmem>>
    %dma_start3A_29 = tpu.memref_squeeze %dma_start3A_28 : memref<1x104xi32, #tpu.memory_space<vmem>> -> memref<104xi32, #tpu.memory_space<vmem>>
    %dma_start3A_30 = tpu.memref_slice %arg3[%add3A_25] : memref<10000xi32, #tpu.memory_space<hbm>> -> memref<104xi32, #tpu.memory_space<hbm>>
    %dma_start3A_31 = arith.constant 0 : i32
    %dma_start3A_32 = tpu.memref_slice %arg8[%dma_start3A_26, %dma_start3A_31] : memref<2x104xi32, #tpu.memory_space<vmem>> -> memref<1x104xi32, #tpu.memory_space<vmem>>
    %dma_start3A_33 = tpu.memref_squeeze %dma_start3A_32 : memref<1x104xi32, #tpu.memory_space<vmem>> -> memref<104xi32, #tpu.memory_space<vmem>>
    %dma_start3A_34 = tpu.memref_slice %arg3[%add3A_25] : memref<10000xi32, #tpu.memory_space<hbm>> -> memref<104xi32, #tpu.memory_space<hbm>>
    tpu.enqueue_dma source(%dma_start3A_34 : memref<104xi32, #tpu.memory_space<hbm>>) target(%dma_start3A_33 : memref<104xi32, #tpu.memory_space<vmem>>) target_semaphore(%arg17 : memref<!tpu.dma_semaphore, #tpu.memory_space<semaphore_mem>>)
    %add3A_35 = arith.constant 208 : i32
    %add3A_36 = arith.addi %mul3A_2, %add3A_35 : i32
    %dma_start3A_37 = arith.constant 1 : i32
    %dma_start3A_38 = arith.constant 0 : i32
    %dma_start3A_39 = tpu.memref_slice %arg8[%dma_start3A_37, %dma_start3A_38] : memref<2x104xi32, #tpu.memory_space<vmem>> -> memref<1x104xi32, #tpu.memory_space<vmem>>
    %dma_start3A_40 = tpu.memref_squeeze %dma_start3A_39 : memref<1x104xi32, #tpu.memory_space<vmem>> -> memref<104xi32, #tpu.memory_space<vmem>>
    %dma_start3A_41 = tpu.memref_slice %arg3[%add3A_36] : memref<10000xi32, #tpu.memory_space<hbm>> -> memref<104xi32, #tpu.memory_space<hbm>>
    %dma_start3A_42 = arith.constant 0 : i32
    %dma_start3A_43 = tpu.memref_slice %arg8[%dma_start3A_37, %dma_start3A_42] : memref<2x104xi32, #tpu.memory_space<vmem>> -> memref<1x104xi32, #tpu.memory_space<vmem>>
    %dma_start3A_44 = tpu.memref_squeeze %dma_start3A_43 : memref<1x104xi32, #tpu.memory_space<vmem>> -> memref<104xi32, #tpu.memory_space<vmem>>
    %dma_start3A_45 = tpu.memref_slice %arg3[%add3A_36] : memref<10000xi32, #tpu.memory_space<hbm>> -> memref<104xi32, #tpu.memory_space<hbm>>
    tpu.enqueue_dma source(%dma_start3A_45 : memref<104xi32, #tpu.memory_space<hbm>>) target(%dma_start3A_44 : memref<104xi32, #tpu.memory_space<vmem>>) target_semaphore(%arg17 : memref<!tpu.dma_semaphore, #tpu.memory_space<semaphore_mem>>)
    %broadcast_in_dim3A = arith.constant 0.000000e+00 : f32
    %broadcast_in_dim3A_46 = vector.broadcast %broadcast_in_dim3A : f32 to vector<16xf32>
    %swap3A = arith.constant 0 : i32
    %swap3A_47 = arith.index_cast %swap3A : i32 to index
    %swap3A_48 = arith.constant 0 : index
    %swap3A_49 = tpu.vector_load %arg11[%swap3A_47, %swap3A_48] {strides = array<i32>} : memref<8x128xf32, #tpu.memory_space<vmem>>, vector<1x16xf32>,
    %swap3A_50 = vector.shape_cast %swap3A_49 : vector<1x16xf32> to vector<16xf32>
    %swap3A_51 = vector.shape_cast %broadcast_in_dim3A_46 : vector<16xf32> to vector<1x16xf32>
    tpu.vector_store %arg11[%swap3A_47, %swap3A_48], %swap3A_51 {strides = array<i32>} : memref<8x128xf32, #tpu.memory_space<vmem>>, vector<1x16xf32>,
    %swap3A_52 = arith.constant 0 : i32
    %swap3A_53 = arith.index_cast %swap3A_52 : i32 to index
    %swap3A_54 = arith.constant 16 : index
    %swap3A_55 = tpu.vector_load %arg11[%swap3A_53, %swap3A_54] {strides = array<i32>} : memref<8x128xf32, #tpu.memory_space<vmem>>, vector<1x16xf32>,
    %swap3A_56 = vector.shape_cast %swap3A_55 : vector<1x16xf32> to vector<16xf32>
    %swap3A_57 = vector.shape_cast %broadcast_in_dim3A_46 : vector<16xf32> to vector<1x16xf32>
    tpu.vector_store %arg11[%swap3A_53, %swap3A_54], %swap3A_57 {strides = array<i32>} : memref<8x128xf32, #tpu.memory_space<vmem>>, vector<1x16xf32>,
    %swap3A_58 = arith.constant 0 : i32
    %swap3A_59 = arith.index_cast %swap3A_58 : i32 to index
    %swap3A_60 = arith.constant 32 : index
    %swap3A_61 = tpu.vector_load %arg11[%swap3A_59, %swap3A_60] {strides = array<i32>} : memref<8x128xf32, #tpu.memory_space<vmem>>, vector<1x16xf32>,
    %swap3A_62 = vector.shape_cast %swap3A_61 : vector<1x16xf32> to vector<16xf32>
    %swap3A_63 = vector.shape_cast %broadcast_in_dim3A_46 : vector<16xf32> to vector<1x16xf32>
    tpu.vector_store %arg11[%swap3A_59, %swap3A_60], %swap3A_63 {strides = array<i32>} : memref<8x128xf32, #tpu.memory_space<vmem>>, vector<1x16xf32>,
    %swap3A_64 = arith.constant 0 : i32
    %swap3A_65 = arith.index_cast %swap3A_64 : i32 to index
    %swap3A_66 = arith.constant 48 : index
    %swap3A_67 = tpu.vector_load %arg11[%swap3A_65, %swap3A_66] {strides = array<i32>} : memref<8x128xf32, #tpu.memory_space<vmem>>, vector<1x16xf32>,
    %swap3A_68 = vector.shape_cast %swap3A_67 : vector<1x16xf32> to vector<16xf32>
    %swap3A_69 = vector.shape_cast %broadcast_in_dim3A_46 : vector<16xf32> to vector<1x16xf32>
    tpu.vector_store %arg11[%swap3A_65, %swap3A_66], %swap3A_69 {strides = array<i32>} : memref<8x128xf32, #tpu.memory_space<vmem>>, vector<1x16xf32>,
    %swap3A_70 = arith.constant 0 : i32
    %swap3A_71 = arith.index_cast %swap3A_70 : i32 to index
    %swap3A_72 = arith.constant 64 : index
    %swap3A_73 = tpu.vector_load %arg11[%swap3A_71, %swap3A_72] {strides = array<i32>} : memref<8x128xf32, #tpu.memory_space<vmem>>, vector<1x16xf32>,
    %swap3A_74 = vector.shape_cast %swap3A_73 : vector<1x16xf32> to vector<16xf32>
    %swap3A_75 = vector.shape_cast %broadcast_in_dim3A_46 : vector<16xf32> to vector<1x16xf32>
    tpu.vector_store %arg11[%swap3A_71, %swap3A_72], %swap3A_75 {strides = array<i32>} : memref<8x128xf32, #tpu.memory_space<vmem>>, vector<1x16xf32>,
    %swap3A_76 = arith.constant 0 : i32
    %swap3A_77 = arith.index_cast %swap3A_76 : i32 to index
    %swap3A_78 = arith.constant 80 : index
    %swap3A_79 = tpu.vector_load %arg11[%swap3A_77, %swap3A_78] {strides = array<i32>} : memref<8x128xf32, #tpu.memory_space<vmem>>, vector<1x16xf32>,
    %swap3A_80 = vector.shape_cast %swap3A_79 : vector<1x16xf32> to vector<16xf32>
    %swap3A_81 = vector.shape_cast %broadcast_in_dim3A_46 : vector<16xf32> to vector<1x16xf32>
    tpu.vector_store %arg11[%swap3A_77, %swap3A_78], %swap3A_81 {strides = array<i32>} : memref<8x128xf32, #tpu.memory_space<vmem>>, vector<1x16xf32>,
    %swap3A_82 = arith.constant 0 : i32
    %swap3A_83 = arith.index_cast %swap3A_82 : i32 to index
    %swap3A_84 = arith.constant 96 : index
    %swap3A_85 = tpu.vector_load %arg11[%swap3A_83, %swap3A_84] {strides = array<i32>} : memref<8x128xf32, #tpu.memory_space<vmem>>, vector<1x16xf32>,
    %swap3A_86 = vector.shape_cast %swap3A_85 : vector<1x16xf32> to vector<16xf32>
    %swap3A_87 = vector.shape_cast %broadcast_in_dim3A_46 : vector<16xf32> to vector<1x16xf32>
    tpu.vector_store %arg11[%swap3A_83, %swap3A_84], %swap3A_87 {strides = array<i32>} : memref<8x128xf32, #tpu.memory_space<vmem>>, vector<1x16xf32>,
    %swap3A_88 = arith.constant 0 : i32
    %swap3A_89 = arith.index_cast %swap3A_88 : i32 to index
    %swap3A_90 = arith.constant 112 : index
    %swap3A_91 = tpu.vector_load %arg11[%swap3A_89, %swap3A_90] {strides = array<i32>} : memref<8x128xf32, #tpu.memory_space<vmem>>, vector<1x16xf32>,
    %swap3A_92 = vector.shape_cast %swap3A_91 : vector<1x16xf32> to vector<16xf32>
    %swap3A_93 = vector.shape_cast %broadcast_in_dim3A_46 : vector<16xf32> to vector<1x16xf32>
    tpu.vector_store %arg11[%swap3A_89, %swap3A_90], %swap3A_93 {strides = array<i32>} : memref<8x128xf32, #tpu.memory_space<vmem>>, vector<1x16xf32>,
    %swap3A_94 = arith.constant 1 : i32
    %swap3A_95 = arith.index_cast %swap3A_94 : i32 to index
    %swap3A_96 = arith.constant 0 : index
    %swap3A_97 = tpu.vector_load %arg11[%swap3A_95, %swap3A_96] {strides = array<i32>} : memref<8x128xf32, #tpu.memory_space<vmem>>, vector<1x16xf32>,
    %swap3A_98 = vector.shape_cast %swap3A_97 : vector<1x16xf32> to vector<16xf32>
    %swap3A_99 = vector.shape_cast %broadcast_in_dim3A_46 : vector<16xf32> to vector<1x16xf32>
    tpu.vector_store %arg11[%swap3A_95, %swap3A_96], %swap3A_99 {strides = array<i32>} : memref<8x128xf32, #tpu.memory_space<vmem>>, vector<1x16xf32>,
    %swap3A_100 = arith.constant 1 : i32
    %swap3A_101 = arith.index_cast %swap3A_100 : i32 to index
    %swap3A_102 = arith.constant 16 : index
    %swap3A_103 = tpu.vector_load %arg11[%swap3A_101, %swap3A_102] {strides = array<i32>} : memref<8x128xf32, #tpu.memory_space<vmem>>, vector<1x16xf32>,
    %swap3A_104 = vector.shape_cast %swap3A_103 : vector<1x16xf32> to vector<16xf32>
    %swap3A_105 = vector.shape_cast %broadcast_in_dim3A_46 : vector<16xf32> to vector<1x16xf32>
    tpu.vector_store %arg11[%swap3A_101, %swap3A_102], %swap3A_105 {strides = array<i32>} : memref<8x128xf32, #tpu.memory_space<vmem>>, vector<1x16xf32>,
    %swap3A_106 = arith.constant 1 : i32
    %swap3A_107 = arith.index_cast %swap3A_106 : i32 to index
    %swap3A_108 = arith.constant 32 : index
    %swap3A_109 = tpu.vector_load %arg11[%swap3A_107, %swap3A_108] {strides = array<i32>} : memref<8x128xf32, #tpu.memory_space<vmem>>, vector<1x16xf32>,
    %swap3A_110 = vector.shape_cast %swap3A_109 : vector<1x16xf32> to vector<16xf32>
    %swap3A_111 = vector.shape_cast %broadcast_in_dim3A_46 : vector<16xf32> to vector<1x16xf32>
    tpu.vector_store %arg11[%swap3A_107, %swap3A_108], %swap3A_111 {strides = array<i32>} : memref<8x128xf32, #tpu.memory_space<vmem>>, vector<1x16xf32>,
    %swap3A_112 = arith.constant 1 : i32
    %swap3A_113 = arith.index_cast %swap3A_112 : i32 to index
    %swap3A_114 = arith.constant 48 : index
    %swap3A_115 = tpu.vector_load %arg11[%swap3A_113, %swap3A_114] {strides = array<i32>} : memref<8x128xf32, #tpu.memory_space<vmem>>, vector<1x16xf32>,
    %swap3A_116 = vector.shape_cast %swap3A_115 : vector<1x16xf32> to vector<16xf32>
    %swap3A_117 = vector.shape_cast %broadcast_in_dim3A_46 : vector<16xf32> to vector<1x16xf32>
    tpu.vector_store %arg11[%swap3A_113, %swap3A_114], %swap3A_117 {strides = array<i32>} : memref<8x128xf32, #tpu.memory_space<vmem>>, vector<1x16xf32>,
    %swap3A_118 = arith.constant 1 : i32
    %swap3A_119 = arith.index_cast %swap3A_118 : i32 to index
    %swap3A_120 = arith.constant 64 : index
    %swap3A_121 = tpu.vector_load %arg11[%swap3A_119, %swap3A_120] {strides = array<i32>} : memref<8x128xf32, #tpu.memory_space<vmem>>, vector<1x16xf32>,
    %swap3A_122 = vector.shape_cast %swap3A_121 : vector<1x16xf32> to vector<16xf32>
    %swap3A_123 = vector.shape_cast %broadcast_in_dim3A_46 : vector<16xf32> to vector<1x16xf32>
    tpu.vector_store %arg11[%swap3A_119, %swap3A_120], %swap3A_123 {strides = array<i32>} : memref<8x128xf32, #tpu.memory_space<vmem>>, vector<1x16xf32>,
    %swap3A_124 = arith.constant 1 : i32
    %swap3A_125 = arith.index_cast %swap3A_124 : i32 to index
    %swap3A_126 = arith.constant 80 : index
    %swap3A_127 = tpu.vector_load %arg11[%swap3A_125, %swap3A_126] {strides = array<i32>} : memref<8x128xf32, #tpu.memory_space<vmem>>, vector<1x16xf32>,
    %swap3A_128 = vector.shape_cast %swap3A_127 : vector<1x16xf32> to vector<16xf32>
    %swap3A_129 = vector.shape_cast %broadcast_in_dim3A_46 : vector<16xf32> to vector<1x16xf32>
    tpu.vector_store %arg11[%swap3A_125, %swap3A_126], %swap3A_129 {strides = array<i32>} : memref<8x128xf32, #tpu.memory_space<vmem>>, vector<1x16xf32>,
    %swap3A_130 = arith.constant 1 : i32
    %swap3A_131 = arith.index_cast %swap3A_130 : i32 to index
    %swap3A_132 = arith.constant 96 : index
    %swap3A_133 = tpu.vector_load %arg11[%swap3A_131, %swap3A_132] {strides = array<i32>} : memref<8x128xf32, #tpu.memory_space<vmem>>, vector<1x16xf32>,
    %swap3A_134 = vector.shape_cast %swap3A_133 : vector<1x16xf32> to vector<16xf32>
    %swap3A_135 = vector.shape_cast %broadcast_in_dim3A_46 : vector<16xf32> to vector<1x16xf32>
    tpu.vector_store %arg11[%swap3A_131, %swap3A_132], %swap3A_135 {strides = array<i32>} : memref<8x128xf32, #tpu.memory_space<vmem>>, vector<1x16xf32>,
    %swap3A_136 = arith.constant 1 : i32
    %swap3A_137 = arith.index_cast %swap3A_136 : i32 to index
    %swap3A_138 = arith.constant 112 : index
    %swap3A_139 = tpu.vector_load %arg11[%swap3A_137, %swap3A_138] {strides = array<i32>} : memref<8x128xf32, #tpu.memory_space<vmem>>, vector<1x16xf32>,
    %swap3A_140 = vector.shape_cast %swap3A_139 : vector<1x16xf32> to vector<16xf32>
    %swap3A_141 = vector.shape_cast %broadcast_in_dim3A_46 : vector<16xf32> to vector<1x16xf32>
    tpu.vector_store %arg11[%swap3A_137, %swap3A_138], %swap3A_141 {strides = array<i32>} : memref<8x128xf32, #tpu.memory_space<vmem>>, vector<1x16xf32>,
    %swap3A_142 = arith.constant 2 : i32
    %swap3A_143 = arith.index_cast %swap3A_142 : i32 to index
    %swap3A_144 = arith.constant 0 : index
    %swap3A_145 = tpu.vector_load %arg11[%swap3A_143, %swap3A_144] {strides = array<i32>} : memref<8x128xf32, #tpu.memory_space<vmem>>, vector<1x16xf32>,
    %swap3A_146 = vector.shape_cast %swap3A_145 : vector<1x16xf32> to vector<16xf32>
    %swap3A_147 = vector.shape_cast %broadcast_in_dim3A_46 : vector<16xf32> to vector<1x16xf32>
    tpu.vector_store %arg11[%swap3A_143, %swap3A_144], %swap3A_147 {strides = array<i32>} : memref<8x128xf32, #tpu.memory_space<vmem>>, vector<1x16xf32>,
    %swap3A_148 = arith.constant 2 : i32
    %swap3A_149 = arith.index_cast %swap3A_148 : i32 to index
    %swap3A_150 = arith.constant 16 : index
    %swap3A_151 = tpu.vector_load %arg11[%swap3A_149, %swap3A_150] {strides = array<i32>} : memref<8x128xf32, #tpu.memory_space<vmem>>, vector<1x16xf32>,
    %swap3A_152 = vector.shape_cast %swap3A_151 : vector<1x16xf32> to vector<16xf32>
    %swap3A_153 = vector.shape_cast %broadcast_in_dim3A_46 : vector<16xf32> to vector<1x16xf32>
    tpu.vector_store %arg11[%swap3A_149, %swap3A_150], %swap3A_153 {strides = array<i32>} : memref<8x128xf32, #tpu.memory_space<vmem>>, vector<1x16xf32>,
    %swap3A_154 = arith.constant 2 : i32
    %swap3A_155 = arith.index_cast %swap3A_154 : i32 to index
    %swap3A_156 = arith.constant 32 : index
    %swap3A_157 = tpu.vector_load %arg11[%swap3A_155, %swap3A_156] {strides = array<i32>} : memref<8x128xf32, #tpu.memory_space<vmem>>, vector<1x16xf32>,
    %swap3A_158 = vector.shape_cast %swap3A_157 : vector<1x16xf32> to vector<16xf32>
    %swap3A_159 = vector.shape_cast %broadcast_in_dim3A_46 : vector<16xf32> to vector<1x16xf32>
    tpu.vector_store %arg11[%swap3A_155, %swap3A_156], %swap3A_159 {strides = array<i32>} : memref<8x128xf32, #tpu.memory_space<vmem>>, vector<1x16xf32>,
    %swap3A_160 = arith.constant 2 : i32
    %swap3A_161 = arith.index_cast %swap3A_160 : i32 to index
    %swap3A_162 = arith.constant 48 : index
    %swap3A_163 = tpu.vector_load %arg11[%swap3A_161, %swap3A_162] {strides = array<i32>} : memref<8x128xf32, #tpu.memory_space<vmem>>, vector<1x16xf32>,
    %swap3A_164 = vector.shape_cast %swap3A_163 : vector<1x16xf32> to vector<16xf32>
    %swap3A_165 = vector.shape_cast %broadcast_in_dim3A_46 : vector<16xf32> to vector<1x16xf32>
    tpu.vector_store %arg11[%swap3A_161, %swap3A_162], %swap3A_165 {strides = array<i32>} : memref<8x128xf32, #tpu.memory_space<vmem>>, vector<1x16xf32>,
    %swap3A_166 = arith.constant 2 : i32
    %swap3A_167 = arith.index_cast %swap3A_166 : i32 to index
    %swap3A_168 = arith.constant 64 : index
    %swap3A_169 = tpu.vector_load %arg11[%swap3A_167, %swap3A_168] {strides = array<i32>} : memref<8x128xf32, #tpu.memory_space<vmem>>, vector<1x16xf32>,
    %swap3A_170 = vector.shape_cast %swap3A_169 : vector<1x16xf32> to vector<16xf32>
    %swap3A_171 = vector.shape_cast %broadcast_in_dim3A_46 : vector<16xf32> to vector<1x16xf32>
    tpu.vector_store %arg11[%swap3A_167, %swap3A_168], %swap3A_171 {strides = array<i32>} : memref<8x128xf32, #tpu.memory_space<vmem>>, vector<1x16xf32>,
    %swap3A_172 = arith.constant 2 : i32
    %swap3A_173 = arith.index_cast %swap3A_172 : i32 to index
    %swap3A_174 = arith.constant 80 : index
    %swap3A_175 = tpu.vector_load %arg11[%swap3A_173, %swap3A_174] {strides = array<i32>} : memref<8x128xf32, #tpu.memory_space<vmem>>, vector<1x16xf32>,
    %swap3A_176 = vector.shape_cast %swap3A_175 : vector<1x16xf32> to vector<16xf32>
    %swap3A_177 = vector.shape_cast %broadcast_in_dim3A_46 : vector<16xf32> to vector<1x16xf32>
    tpu.vector_store %arg11[%swap3A_173, %swap3A_174], %swap3A_177 {strides = array<i32>} : memref<8x128xf32, #tpu.memory_space<vmem>>, vector<1x16xf32>,
    %swap3A_178 = arith.constant 2 : i32
    %swap3A_179 = arith.index_cast %swap3A_178 : i32 to index
    %swap3A_180 = arith.constant 96 : index
    %swap3A_181 = tpu.vector_load %arg11[%swap3A_179, %swap3A_180] {strides = array<i32>} : memref<8x128xf32, #tpu.memory_space<vmem>>, vector<1x16xf32>,
    %swap3A_182 = vector.shape_cast %swap3A_181 : vector<1x16xf32> to vector<16xf32>
    %swap3A_183 = vector.shape_cast %broadcast_in_dim3A_46 : vector<16xf32> to vector<1x16xf32>
    tpu.vector_store %arg11[%swap3A_179, %swap3A_180], %swap3A_183 {strides = array<i32>} : memref<8x128xf32, #tpu.memory_space<vmem>>, vector<1x16xf32>,
    %swap3A_184 = arith.constant 2 : i32
    %swap3A_185 = arith.index_cast %swap3A_184 : i32 to index
    %swap3A_186 = arith.constant 112 : index
    %swap3A_187 = tpu.vector_load %arg11[%swap3A_185, %swap3A_186] {strides = array<i32>} : memref<8x128xf32, #tpu.memory_space<vmem>>, vector<1x16xf32>,
    %swap3A_188 = vector.shape_cast %swap3A_187 : vector<1x16xf32> to vector<16xf32>
    %swap3A_189 = vector.shape_cast %broadcast_in_dim3A_46 : vector<16xf32> to vector<1x16xf32>
    tpu.vector_store %arg11[%swap3A_185, %swap3A_186], %swap3A_189 {strides = array<i32>} : memref<8x128xf32, #tpu.memory_space<vmem>>, vector<1x16xf32>,
    %swap3A_190 = arith.constant 3 : i32
    %swap3A_191 = arith.index_cast %swap3A_190 : i32 to index
    %swap3A_192 = arith.constant 0 : index
    %swap3A_193 = tpu.vector_load %arg11[%swap3A_191, %swap3A_192] {strides = array<i32>} : memref<8x128xf32, #tpu.memory_space<vmem>>, vector<1x16xf32>,
    %swap3A_194 = vector.shape_cast %swap3A_193 : vector<1x16xf32> to vector<16xf32>
    %swap3A_195 = vector.shape_cast %broadcast_in_dim3A_46 : vector<16xf32> to vector<1x16xf32>
    tpu.vector_store %arg11[%swap3A_191, %swap3A_192], %swap3A_195 {strides = array<i32>} : memref<8x128xf32, #tpu.memory_space<vmem>>, vector<1x16xf32>,
    %swap3A_196 = arith.constant 3 : i32
    %swap3A_197 = arith.index_cast %swap3A_196 : i32 to index
    %swap3A_198 = arith.constant 16 : index
    %swap3A_199 = tpu.vector_load %arg11[%swap3A_197, %swap3A_198] {strides = array<i32>} : memref<8x128xf32, #tpu.memory_space<vmem>>, vector<1x16xf32>,
    %swap3A_200 = vector.shape_cast %swap3A_199 : vector<1x16xf32> to vector<16xf32>
    %swap3A_201 = vector.shape_cast %broadcast_in_dim3A_46 : vector<16xf32> to vector<1x16xf32>
    tpu.vector_store %arg11[%swap3A_197, %swap3A_198], %swap3A_201 {strides = array<i32>} : memref<8x128xf32, #tpu.memory_space<vmem>>, vector<1x16xf32>,
    %swap3A_202 = arith.constant 3 : i32
    %swap3A_203 = arith.index_cast %swap3A_202 : i32 to index
    %swap3A_204 = arith.constant 32 : index
    %swap3A_205 = tpu.vector_load %arg11[%swap3A_203, %swap3A_204] {strides = array<i32>} : memref<8x128xf32, #tpu.memory_space<vmem>>, vector<1x16xf32>,
    %swap3A_206 = vector.shape_cast %swap3A_205 : vector<1x16xf32> to vector<16xf32>
    %swap3A_207 = vector.shape_cast %broadcast_in_dim3A_46 : vector<16xf32> to vector<1x16xf32>
    tpu.vector_store %arg11[%swap3A_203, %swap3A_204], %swap3A_207 {strides = array<i32>} : memref<8x128xf32, #tpu.memory_space<vmem>>, vector<1x16xf32>,
    %swap3A_208 = arith.constant 3 : i32
    %swap3A_209 = arith.index_cast %swap3A_208 : i32 to index
    %swap3A_210 = arith.constant 48 : index
    %swap3A_211 = tpu.vector_load %arg11[%swap3A_209, %swap3A_210] {strides = array<i32>} : memref<8x128xf32, #tpu.memory_space<vmem>>, vector<1x16xf32>,
    %swap3A_212 = vector.shape_cast %swap3A_211 : vector<1x16xf32> to vector<16xf32>
    %swap3A_213 = vector.shape_cast %broadcast_in_dim3A_46 : vector<16xf32> to vector<1x16xf32>
    tpu.vector_store %arg11[%swap3A_209, %swap3A_210], %swap3A_213 {strides = array<i32>} : memref<8x128xf32, #tpu.memory_space<vmem>>, vector<1x16xf32>,
    %swap3A_214 = arith.constant 3 : i32
    %swap3A_215 = arith.index_cast %swap3A_214 : i32 to index
    %swap3A_216 = arith.constant 64 : index
    %swap3A_217 = tpu.vector_load %arg11[%swap3A_215, %swap3A_216] {strides = array<i32>} : memref<8x128xf32, #tpu.memory_space<vmem>>, vector<1x16xf32>,
    %swap3A_218 = vector.shape_cast %swap3A_217 : vector<1x16xf32> to vector<16xf32>
    %swap3A_219 = vector.shape_cast %broadcast_in_dim3A_46 : vector<16xf32> to vector<1x16xf32>
    tpu.vector_store %arg11[%swap3A_215, %swap3A_216], %swap3A_219 {strides = array<i32>} : memref<8x128xf32, #tpu.memory_space<vmem>>, vector<1x16xf32>,
    %swap3A_220 = arith.constant 3 : i32
    %swap3A_221 = arith.index_cast %swap3A_220 : i32 to index
    %swap3A_222 = arith.constant 80 : index
    %swap3A_223 = tpu.vector_load %arg11[%swap3A_221, %swap3A_222] {strides = array<i32>} : memref<8x128xf32, #tpu.memory_space<vmem>>, vector<1x16xf32>,
    %swap3A_224 = vector.shape_cast %swap3A_223 : vector<1x16xf32> to vector<16xf32>
    %swap3A_225 = vector.shape_cast %broadcast_in_dim3A_46 : vector<16xf32> to vector<1x16xf32>
    tpu.vector_store %arg11[%swap3A_221, %swap3A_222], %swap3A_225 {strides = array<i32>} : memref<8x128xf32, #tpu.memory_space<vmem>>, vector<1x16xf32>,
    %swap3A_226 = arith.constant 3 : i32
    %swap3A_227 = arith.index_cast %swap3A_226 : i32 to index
    %swap3A_228 = arith.constant 96 : index
    %swap3A_229 = tpu.vector_load %arg11[%swap3A_227, %swap3A_228] {strides = array<i32>} : memref<8x128xf32, #tpu.memory_space<vmem>>, vector<1x16xf32>,
    %swap3A_230 = vector.shape_cast %swap3A_229 : vector<1x16xf32> to vector<16xf32>
    %swap3A_231 = vector.shape_cast %broadcast_in_dim3A_46 : vector<16xf32> to vector<1x16xf32>
    tpu.vector_store %arg11[%swap3A_227, %swap3A_228], %swap3A_231 {strides = array<i32>} : memref<8x128xf32, #tpu.memory_space<vmem>>, vector<1x16xf32>,
    %swap3A_232 = arith.constant 3 : i32
    %swap3A_233 = arith.index_cast %swap3A_232 : i32 to index
    %swap3A_234 = arith.constant 112 : index
    %swap3A_235 = tpu.vector_load %arg11[%swap3A_233, %swap3A_234] {strides = array<i32>} : memref<8x128xf32, #tpu.memory_space<vmem>>, vector<1x16xf32>,
    %swap3A_236 = vector.shape_cast %swap3A_235 : vector<1x16xf32> to vector<16xf32>
    %swap3A_237 = vector.shape_cast %broadcast_in_dim3A_46 : vector<16xf32> to vector<1x16xf32>
    tpu.vector_store %arg11[%swap3A_233, %swap3A_234], %swap3A_237 {strides = array<i32>} : memref<8x128xf32, #tpu.memory_space<vmem>>, vector<1x16xf32>,
    %swap3A_238 = arith.constant 4 : i32
    %swap3A_239 = arith.index_cast %swap3A_238 : i32 to index
    %swap3A_240 = arith.constant 0 : index
    %swap3A_241 = tpu.vector_load %arg11[%swap3A_239, %swap3A_240] {strides = array<i32>} : memref<8x128xf32, #tpu.memory_space<vmem>>, vector<1x16xf32>,
    %swap3A_242 = vector.shape_cast %swap3A_241 : vector<1x16xf32> to vector<16xf32>
    %swap3A_243 = vector.shape_cast %broadcast_in_dim3A_46 : vector<16xf32> to vector<1x16xf32>
    tpu.vector_store %arg11[%swap3A_239, %swap3A_240], %swap3A_243 {strides = array<i32>} : memref<8x128xf32, #tpu.memory_space<vmem>>, vector<1x16xf32>,
    %swap3A_244 = arith.constant 4 : i32
    %swap3A_245 = arith.index_cast %swap3A_244 : i32 to index
    %swap3A_246 = arith.constant 16 : index
    %swap3A_247 = tpu.vector_load %arg11[%swap3A_245, %swap3A_246] {strides = array<i32>} : memref<8x128xf32, #tpu.memory_space<vmem>>, vector<1x16xf32>,
    %swap3A_248 = vector.shape_cast %swap3A_247 : vector<1x16xf32> to vector<16xf32>
    %swap3A_249 = vector.shape_cast %broadcast_in_dim3A_46 : vector<16xf32> to vector<1x16xf32>
    tpu.vector_store %arg11[%swap3A_245, %swap3A_246], %swap3A_249 {strides = array<i32>} : memref<8x128xf32, #tpu.memory_space<vmem>>, vector<1x16xf32>,
    %swap3A_250 = arith.constant 4 : i32
    %swap3A_251 = arith.index_cast %swap3A_250 : i32 to index
    %swap3A_252 = arith.constant 32 : index
    %swap3A_253 = tpu.vector_load %arg11[%swap3A_251, %swap3A_252] {strides = array<i32>} : memref<8x128xf32, #tpu.memory_space<vmem>>, vector<1x16xf32>,
    %swap3A_254 = vector.shape_cast %swap3A_253 : vector<1x16xf32> to vector<16xf32>
    %swap3A_255 = vector.shape_cast %broadcast_in_dim3A_46 : vector<16xf32> to vector<1x16xf32>
    tpu.vector_store %arg11[%swap3A_251, %swap3A_252], %swap3A_255 {strides = array<i32>} : memref<8x128xf32, #tpu.memory_space<vmem>>, vector<1x16xf32>,
    %swap3A_256 = arith.constant 4 : i32
    %swap3A_257 = arith.index_cast %swap3A_256 : i32 to index
    %swap3A_258 = arith.constant 48 : index
    %swap3A_259 = tpu.vector_load %arg11[%swap3A_257, %swap3A_258] {strides = array<i32>} : memref<8x128xf32, #tpu.memory_space<vmem>>, vector<1x16xf32>,
    %swap3A_260 = vector.shape_cast %swap3A_259 : vector<1x16xf32> to vector<16xf32>
    %swap3A_261 = vector.shape_cast %broadcast_in_dim3A_46 : vector<16xf32> to vector<1x16xf32>
    tpu.vector_store %arg11[%swap3A_257, %swap3A_258], %swap3A_261 {strides = array<i32>} : memref<8x128xf32, #tpu.memory_space<vmem>>, vector<1x16xf32>,
    %swap3A_262 = arith.constant 4 : i32
    %swap3A_263 = arith.index_cast %swap3A_262 : i32 to index
    %swap3A_264 = arith.constant 64 : index
    %swap3A_265 = tpu.vector_load %arg11[%swap3A_263, %swap3A_264] {strides = array<i32>} : memref<8x128xf32, #tpu.memory_space<vmem>>, vector<1x16xf32>,
    %swap3A_266 = vector.shape_cast %swap3A_265 : vector<1x16xf32> to vector<16xf32>
    %swap3A_267 = vector.shape_cast %broadcast_in_dim3A_46 : vector<16xf32> to vector<1x16xf32>
    tpu.vector_store %arg11[%swap3A_263, %swap3A_264], %swap3A_267 {strides = array<i32>} : memref<8x128xf32, #tpu.memory_space<vmem>>, vector<1x16xf32>,
    %swap3A_268 = arith.constant 4 : i32
    %swap3A_269 = arith.index_cast %swap3A_268 : i32 to index
    %swap3A_270 = arith.constant 80 : index
    %swap3A_271 = tpu.vector_load %arg11[%swap3A_269, %swap3A_270] {strides = array<i32>} : memref<8x128xf32, #tpu.memory_space<vmem>>, vector<1x16xf32>,
    %swap3A_272 = vector.shape_cast %swap3A_271 : vector<1x16xf32> to vector<16xf32>
    %swap3A_273 = vector.shape_cast %broadcast_in_dim3A_46 : vector<16xf32> to vector<1x16xf32>
    tpu.vector_store %arg11[%swap3A_269, %swap3A_270], %swap3A_273 {strides = array<i32>} : memref<8x128xf32, #tpu.memory_space<vmem>>, vector<1x16xf32>,
    %swap3A_274 = arith.constant 4 : i32
    %swap3A_275 = arith.index_cast %swap3A_274 : i32 to index
    %swap3A_276 = arith.constant 96 : index
    %swap3A_277 = tpu.vector_load %arg11[%swap3A_275, %swap3A_276] {strides = array<i32>} : memref<8x128xf32, #tpu.memory_space<vmem>>, vector<1x16xf32>,
    %swap3A_278 = vector.shape_cast %swap3A_277 : vector<1x16xf32> to vector<16xf32>
    %swap3A_279 = vector.shape_cast %broadcast_in_dim3A_46 : vector<16xf32> to vector<1x16xf32>
    tpu.vector_store %arg11[%swap3A_275, %swap3A_276], %swap3A_279 {strides = array<i32>} : memref<8x128xf32, #tpu.memory_space<vmem>>, vector<1x16xf32>,
    %swap3A_280 = arith.constant 4 : i32
    %swap3A_281 = arith.index_cast %swap3A_280 : i32 to index
    %swap3A_282 = arith.constant 112 : index
    %swap3A_283 = tpu.vector_load %arg11[%swap3A_281, %swap3A_282] {strides = array<i32>} : memref<8x128xf32, #tpu.memory_space<vmem>>, vector<1x16xf32>,
    %swap3A_284 = vector.shape_cast %swap3A_283 : vector<1x16xf32> to vector<16xf32>
    %swap3A_285 = vector.shape_cast %broadcast_in_dim3A_46 : vector<16xf32> to vector<1x16xf32>
    tpu.vector_store %arg11[%swap3A_281, %swap3A_282], %swap3A_285 {strides = array<i32>} : memref<8x128xf32, #tpu.memory_space<vmem>>, vector<1x16xf32>,
    %swap3A_286 = arith.constant 5 : i32
    %swap3A_287 = arith.index_cast %swap3A_286 : i32 to index
    %swap3A_288 = arith.constant 0 : index
    %swap3A_289 = tpu.vector_load %arg11[%swap3A_287, %swap3A_288] {strides = array<i32>} : memref<8x128xf32, #tpu.memory_space<vmem>>, vector<1x16xf32>,
    %swap3A_290 = vector.shape_cast %swap3A_289 : vector<1x16xf32> to vector<16xf32>
    %swap3A_291 = vector.shape_cast %broadcast_in_dim3A_46 : vector<16xf32> to vector<1x16xf32>
    tpu.vector_store %arg11[%swap3A_287, %swap3A_288], %swap3A_291 {strides = array<i32>} : memref<8x128xf32, #tpu.memory_space<vmem>>, vector<1x16xf32>,
    %swap3A_292 = arith.constant 5 : i32
    %swap3A_293 = arith.index_cast %swap3A_292 : i32 to index
    %swap3A_294 = arith.constant 16 : index
    %swap3A_295 = tpu.vector_load %arg11[%swap3A_293, %swap3A_294] {strides = array<i32>} : memref<8x128xf32, #tpu.memory_space<vmem>>, vector<1x16xf32>,
    %swap3A_296 = vector.shape_cast %swap3A_295 : vector<1x16xf32> to vector<16xf32>
    %swap3A_297 = vector.shape_cast %broadcast_in_dim3A_46 : vector<16xf32> to vector<1x16xf32>
    tpu.vector_store %arg11[%swap3A_293, %swap3A_294], %swap3A_297 {strides = array<i32>} : memref<8x128xf32, #tpu.memory_space<vmem>>, vector<1x16xf32>,
    %swap3A_298 = arith.constant 5 : i32
    %swap3A_299 = arith.index_cast %swap3A_298 : i32 to index
    %swap3A_300 = arith.constant 32 : index
    %swap3A_301 = tpu.vector_load %arg11[%swap3A_299, %swap3A_300] {strides = array<i32>} : memref<8x128xf32, #tpu.memory_space<vmem>>, vector<1x16xf32>,
    %swap3A_302 = vector.shape_cast %swap3A_301 : vector<1x16xf32> to vector<16xf32>
    %swap3A_303 = vector.shape_cast %broadcast_in_dim3A_46 : vector<16xf32> to vector<1x16xf32>
    tpu.vector_store %arg11[%swap3A_299, %swap3A_300], %swap3A_303 {strides = array<i32>} : memref<8x128xf32, #tpu.memory_space<vmem>>, vector<1x16xf32>,
    %swap3A_304 = arith.constant 5 : i32
    %swap3A_305 = arith.index_cast %swap3A_304 : i32 to index
    %swap3A_306 = arith.constant 48 : index
    %swap3A_307 = tpu.vector_load %arg11[%swap3A_305, %swap3A_306] {strides = array<i32>} : memref<8x128xf32, #tpu.memory_space<vmem>>, vector<1x16xf32>,
    %swap3A_308 = vector.shape_cast %swap3A_307 : vector<1x16xf32> to vector<16xf32>
    %swap3A_309 = vector.shape_cast %broadcast_in_dim3A_46 : vector<16xf32> to vector<1x16xf32>
    tpu.vector_store %arg11[%swap3A_305, %swap3A_306], %swap3A_309 {strides = array<i32>} : memref<8x128xf32, #tpu.memory_space<vmem>>, vector<1x16xf32>,
    %swap3A_310 = arith.constant 5 : i32
    %swap3A_311 = arith.index_cast %swap3A_310 : i32 to index
    %swap3A_312 = arith.constant 64 : index
    %swap3A_313 = tpu.vector_load %arg11[%swap3A_311, %swap3A_312] {strides = array<i32>} : memref<8x128xf32, #tpu.memory_space<vmem>>, vector<1x16xf32>,
    %swap3A_314 = vector.shape_cast %swap3A_313 : vector<1x16xf32> to vector<16xf32>
    %swap3A_315 = vector.shape_cast %broadcast_in_dim3A_46 : vector<16xf32> to vector<1x16xf32>
    tpu.vector_store %arg11[%swap3A_311, %swap3A_312], %swap3A_315 {strides = array<i32>} : memref<8x128xf32, #tpu.memory_space<vmem>>, vector<1x16xf32>,
    %swap3A_316 = arith.constant 5 : i32
    %swap3A_317 = arith.index_cast %swap3A_316 : i32 to index
    %swap3A_318 = arith.constant 80 : index
    %swap3A_319 = tpu.vector_load %arg11[%swap3A_317, %swap3A_318] {strides = array<i32>} : memref<8x128xf32, #tpu.memory_space<vmem>>, vector<1x16xf32>,
    %swap3A_320 = vector.shape_cast %swap3A_319 : vector<1x16xf32> to vector<16xf32>
    %swap3A_321 = vector.shape_cast %broadcast_in_dim3A_46 : vector<16xf32> to vector<1x16xf32>
    tpu.vector_store %arg11[%swap3A_317, %swap3A_318], %swap3A_321 {strides = array<i32>} : memref<8x128xf32, #tpu.memory_space<vmem>>, vector<1x16xf32>,
    %swap3A_322 = arith.constant 5 : i32
    %swap3A_323 = arith.index_cast %swap3A_322 : i32 to index
    %swap3A_324 = arith.constant 96 : index
    %swap3A_325 = tpu.vector_load %arg11[%swap3A_323, %swap3A_324] {strides = array<i32>} : memref<8x128xf32, #tpu.memory_space<vmem>>, vector<1x16xf32>,
    %swap3A_326 = vector.shape_cast %swap3A_325 : vector<1x16xf32> to vector<16xf32>
    %swap3A_327 = vector.shape_cast %broadcast_in_dim3A_46 : vector<16xf32> to vector<1x16xf32>
    tpu.vector_store %arg11[%swap3A_323, %swap3A_324], %swap3A_327 {strides = array<i32>} : memref<8x128xf32, #tpu.memory_space<vmem>>, vector<1x16xf32>,
    %swap3A_328 = arith.constant 5 : i32
    %swap3A_329 = arith.index_cast %swap3A_328 : i32 to index
    %swap3A_330 = arith.constant 112 : index
    %swap3A_331 = tpu.vector_load %arg11[%swap3A_329, %swap3A_330] {strides = array<i32>} : memref<8x128xf32, #tpu.memory_space<vmem>>, vector<1x16xf32>,
    %swap3A_332 = vector.shape_cast %swap3A_331 : vector<1x16xf32> to vector<16xf32>
    %swap3A_333 = vector.shape_cast %broadcast_in_dim3A_46 : vector<16xf32> to vector<1x16xf32>
    tpu.vector_store %arg11[%swap3A_329, %swap3A_330], %swap3A_333 {strides = array<i32>} : memref<8x128xf32, #tpu.memory_space<vmem>>, vector<1x16xf32>,
    %swap3A_334 = arith.constant 6 : i32
    %swap3A_335 = arith.index_cast %swap3A_334 : i32 to index
    %swap3A_336 = arith.constant 0 : index
    %swap3A_337 = tpu.vector_load %arg11[%swap3A_335, %swap3A_336] {strides = array<i32>} : memref<8x128xf32, #tpu.memory_space<vmem>>, vector<1x16xf32>,
    %swap3A_338 = vector.shape_cast %swap3A_337 : vector<1x16xf32> to vector<16xf32>
    %swap3A_339 = vector.shape_cast %broadcast_in_dim3A_46 : vector<16xf32> to vector<1x16xf32>
    tpu.vector_store %arg11[%swap3A_335, %swap3A_336], %swap3A_339 {strides = array<i32>} : memref<8x128xf32, #tpu.memory_space<vmem>>, vector<1x16xf32>,
    %swap3A_340 = arith.constant 6 : i32
    %swap3A_341 = arith.index_cast %swap3A_340 : i32 to index
    %swap3A_342 = arith.constant 16 : index
    %swap3A_343 = tpu.vector_load %arg11[%swap3A_341, %swap3A_342] {strides = array<i32>} : memref<8x128xf32, #tpu.memory_space<vmem>>, vector<1x16xf32>,
    %swap3A_344 = vector.shape_cast %swap3A_343 : vector<1x16xf32> to vector<16xf32>
    %swap3A_345 = vector.shape_cast %broadcast_in_dim3A_46 : vector<16xf32> to vector<1x16xf32>
    tpu.vector_store %arg11[%swap3A_341, %swap3A_342], %swap3A_345 {strides = array<i32>} : memref<8x128xf32, #tpu.memory_space<vmem>>, vector<1x16xf32>,
    %swap3A_346 = arith.constant 6 : i32
    %swap3A_347 = arith.index_cast %swap3A_346 : i32 to index
    %swap3A_348 = arith.constant 32 : index
    %swap3A_349 = tpu.vector_load %arg11[%swap3A_347, %swap3A_348] {strides = array<i32>} : memref<8x128xf32, #tpu.memory_space<vmem>>, vector<1x16xf32>,
    %swap3A_350 = vector.shape_cast %swap3A_349 : vector<1x16xf32> to vector<16xf32>
    %swap3A_351 = vector.shape_cast %broadcast_in_dim3A_46 : vector<16xf32> to vector<1x16xf32>
    tpu.vector_store %arg11[%swap3A_347, %swap3A_348], %swap3A_351 {strides = array<i32>} : memref<8x128xf32, #tpu.memory_space<vmem>>, vector<1x16xf32>,
    %swap3A_352 = arith.constant 6 : i32
    %swap3A_353 = arith.index_cast %swap3A_352 : i32 to index
    %swap3A_354 = arith.constant 48 : index
    %swap3A_355 = tpu.vector_load %arg11[%swap3A_353, %swap3A_354] {strides = array<i32>} : memref<8x128xf32, #tpu.memory_space<vmem>>, vector<1x16xf32>,
    %swap3A_356 = vector.shape_cast %swap3A_355 : vector<1x16xf32> to vector<16xf32>
    %swap3A_357 = vector.shape_cast %broadcast_in_dim3A_46 : vector<16xf32> to vector<1x16xf32>
    tpu.vector_store %arg11[%swap3A_353, %swap3A_354], %swap3A_357 {strides = array<i32>} : memref<8x128xf32, #tpu.memory_space<vmem>>, vector<1x16xf32>,
    %swap3A_358 = arith.constant 6 : i32
    %swap3A_359 = arith.index_cast %swap3A_358 : i32 to index
    %swap3A_360 = arith.constant 64 : index
    %swap3A_361 = tpu.vector_load %arg11[%swap3A_359, %swap3A_360] {strides = array<i32>} : memref<8x128xf32, #tpu.memory_space<vmem>>, vector<1x16xf32>,
    %swap3A_362 = vector.shape_cast %swap3A_361 : vector<1x16xf32> to vector<16xf32>
    %swap3A_363 = vector.shape_cast %broadcast_in_dim3A_46 : vector<16xf32> to vector<1x16xf32>
    tpu.vector_store %arg11[%swap3A_359, %swap3A_360], %swap3A_363 {strides = array<i32>} : memref<8x128xf32, #tpu.memory_space<vmem>>, vector<1x16xf32>,
    %swap3A_364 = arith.constant 6 : i32
    %swap3A_365 = arith.index_cast %swap3A_364 : i32 to index
    %swap3A_366 = arith.constant 80 : index
    %swap3A_367 = tpu.vector_load %arg11[%swap3A_365, %swap3A_366] {strides = array<i32>} : memref<8x128xf32, #tpu.memory_space<vmem>>, vector<1x16xf32>,
    %swap3A_368 = vector.shape_cast %swap3A_367 : vector<1x16xf32> to vector<16xf32>
    %swap3A_369 = vector.shape_cast %broadcast_in_dim3A_46 : vector<16xf32> to vector<1x16xf32>
    tpu.vector_store %arg11[%swap3A_365, %swap3A_366], %swap3A_369 {strides = array<i32>} : memref<8x128xf32, #tpu.memory_space<vmem>>, vector<1x16xf32>,
    %swap3A_370 = arith.constant 6 : i32
    %swap3A_371 = arith.index_cast %swap3A_370 : i32 to index
    %swap3A_372 = arith.constant 96 : index
    %swap3A_373 = tpu.vector_load %arg11[%swap3A_371, %swap3A_372] {strides = array<i32>} : memref<8x128xf32, #tpu.memory_space<vmem>>, vector<1x16xf32>,
    %swap3A_374 = vector.shape_cast %swap3A_373 : vector<1x16xf32> to vector<16xf32>
    %swap3A_375 = vector.shape_cast %broadcast_in_dim3A_46 : vector<16xf32> to vector<1x16xf32>
    tpu.vector_store %arg11[%swap3A_371, %swap3A_372], %swap3A_375 {strides = array<i32>} : memref<8x128xf32, #tpu.memory_space<vmem>>, vector<1x16xf32>,
    %swap3A_376 = arith.constant 6 : i32
    %swap3A_377 = arith.index_cast %swap3A_376 : i32 to index
    %swap3A_378 = arith.constant 112 : index
    %swap3A_379 = tpu.vector_load %arg11[%swap3A_377, %swap3A_378] {strides = array<i32>} : memref<8x128xf32, #tpu.memory_space<vmem>>, vector<1x16xf32>,
    %swap3A_380 = vector.shape_cast %swap3A_379 : vector<1x16xf32> to vector<16xf32>
    %swap3A_381 = vector.shape_cast %broadcast_in_dim3A_46 : vector<16xf32> to vector<1x16xf32>
    tpu.vector_store %arg11[%swap3A_377, %swap3A_378], %swap3A_381 {strides = array<i32>} : memref<8x128xf32, #tpu.memory_space<vmem>>, vector<1x16xf32>,
    %swap3A_382 = arith.constant 7 : i32
    %swap3A_383 = arith.index_cast %swap3A_382 : i32 to index
    %swap3A_384 = arith.constant 0 : index
    %swap3A_385 = tpu.vector_load %arg11[%swap3A_383, %swap3A_384] {strides = array<i32>} : memref<8x128xf32, #tpu.memory_space<vmem>>, vector<1x16xf32>,
    %swap3A_386 = vector.shape_cast %swap3A_385 : vector<1x16xf32> to vector<16xf32>
    %swap3A_387 = vector.shape_cast %broadcast_in_dim3A_46 : vector<16xf32> to vector<1x16xf32>
    tpu.vector_store %arg11[%swap3A_383, %swap3A_384], %swap3A_387 {strides = array<i32>} : memref<8x128xf32, #tpu.memory_space<vmem>>, vector<1x16xf32>,
    %swap3A_388 = arith.constant 7 : i32
    %swap3A_389 = arith.index_cast %swap3A_388 : i32 to index
    %swap3A_390 = arith.constant 16 : index
    %swap3A_391 = tpu.vector_load %arg11[%swap3A_389, %swap3A_390] {strides = array<i32>} : memref<8x128xf32, #tpu.memory_space<vmem>>, vector<1x16xf32>,
    %swap3A_392 = vector.shape_cast %swap3A_391 : vector<1x16xf32> to vector<16xf32>
    %swap3A_393 = vector.shape_cast %broadcast_in_dim3A_46 : vector<16xf32> to vector<1x16xf32>
    tpu.vector_store %arg11[%swap3A_389, %swap3A_390], %swap3A_393 {strides = array<i32>} : memref<8x128xf32, #tpu.memory_space<vmem>>, vector<1x16xf32>,
    %swap3A_394 = arith.constant 7 : i32
    %swap3A_395 = arith.index_cast %swap3A_394 : i32 to index
    %swap3A_396 = arith.constant 32 : index
    %swap3A_397 = tpu.vector_load %arg11[%swap3A_395, %swap3A_396] {strides = array<i32>} : memref<8x128xf32, #tpu.memory_space<vmem>>, vector<1x16xf32>,
    %swap3A_398 = vector.shape_cast %swap3A_397 : vector<1x16xf32> to vector<16xf32>
    %swap3A_399 = vector.shape_cast %broadcast_in_dim3A_46 : vector<16xf32> to vector<1x16xf32>
    tpu.vector_store %arg11[%swap3A_395, %swap3A_396], %swap3A_399 {strides = array<i32>} : memref<8x128xf32, #tpu.memory_space<vmem>>, vector<1x16xf32>,
    %swap3A_400 = arith.constant 7 : i32
    %swap3A_401 = arith.index_cast %swap3A_400 : i32 to index
    %swap3A_402 = arith.constant 48 : index
    %swap3A_403 = tpu.vector_load %arg11[%swap3A_401, %swap3A_402] {strides = array<i32>} : memref<8x128xf32, #tpu.memory_space<vmem>>, vector<1x16xf32>,
    %swap3A_404 = vector.shape_cast %swap3A_403 : vector<1x16xf32> to vector<16xf32>
    %swap3A_405 = vector.shape_cast %broadcast_in_dim3A_46 : vector<16xf32> to vector<1x16xf32>
    tpu.vector_store %arg11[%swap3A_401, %swap3A_402], %swap3A_405 {strides = array<i32>} : memref<8x128xf32, #tpu.memory_space<vmem>>, vector<1x16xf32>,
    %swap3A_406 = arith.constant 7 : i32
    %swap3A_407 = arith.index_cast %swap3A_406 : i32 to index
    %swap3A_408 = arith.constant 64 : index
    %swap3A_409 = tpu.vector_load %arg11[%swap3A_407, %swap3A_408] {strides = array<i32>} : memref<8x128xf32, #tpu.memory_space<vmem>>, vector<1x16xf32>,
    %swap3A_410 = vector.shape_cast %swap3A_409 : vector<1x16xf32> to vector<16xf32>
    %swap3A_411 = vector.shape_cast %broadcast_in_dim3A_46 : vector<16xf32> to vector<1x16xf32>
    tpu.vector_store %arg11[%swap3A_407, %swap3A_408], %swap3A_411 {strides = array<i32>} : memref<8x128xf32, #tpu.memory_space<vmem>>, vector<1x16xf32>,
    %swap3A_412 = arith.constant 7 : i32
    %swap3A_413 = arith.index_cast %swap3A_412 : i32 to index
    %swap3A_414 = arith.constant 80 : index
    %swap3A_415 = tpu.vector_load %arg11[%swap3A_413, %swap3A_414] {strides = array<i32>} : memref<8x128xf32, #tpu.memory_space<vmem>>, vector<1x16xf32>,
    %swap3A_416 = vector.shape_cast %swap3A_415 : vector<1x16xf32> to vector<16xf32>
    %swap3A_417 = vector.shape_cast %broadcast_in_dim3A_46 : vector<16xf32> to vector<1x16xf32>
    tpu.vector_store %arg11[%swap3A_413, %swap3A_414], %swap3A_417 {strides = array<i32>} : memref<8x128xf32, #tpu.memory_space<vmem>>, vector<1x16xf32>,
    %swap3A_418 = arith.constant 7 : i32
    %swap3A_419 = arith.index_cast %swap3A_418 : i32 to index
    %swap3A_420 = arith.constant 96 : index
    %swap3A_421 = tpu.vector_load %arg11[%swap3A_419, %swap3A_420] {strides = array<i32>} : memref<8x128xf32, #tpu.memory_space<vmem>>, vector<1x16xf32>,
    %swap3A_422 = vector.shape_cast %swap3A_421 : vector<1x16xf32> to vector<16xf32>
    %swap3A_423 = vector.shape_cast %broadcast_in_dim3A_46 : vector<16xf32> to vector<1x16xf32>
    tpu.vector_store %arg11[%swap3A_419, %swap3A_420], %swap3A_423 {strides = array<i32>} : memref<8x128xf32, #tpu.memory_space<vmem>>, vector<1x16xf32>,
    %swap3A_424 = arith.constant 7 : i32
    %swap3A_425 = arith.index_cast %swap3A_424 : i32 to index
    %swap3A_426 = arith.constant 112 : index
    %swap3A_427 = tpu.vector_load %arg11[%swap3A_425, %swap3A_426] {strides = array<i32>} : memref<8x128xf32, #tpu.memory_space<vmem>>, vector<1x16xf32>,
    %swap3A_428 = vector.shape_cast %swap3A_427 : vector<1x16xf32> to vector<16xf32>
    %swap3A_429 = vector.shape_cast %broadcast_in_dim3A_46 : vector<16xf32> to vector<1x16xf32>
    tpu.vector_store %arg11[%swap3A_425, %swap3A_426], %swap3A_429 {strides = array<i32>} : memref<8x128xf32, #tpu.memory_space<vmem>>, vector<1x16xf32>,
    %mul3A_430 = arith.constant 8 : i32
    %mul3A_431 = arith.muli %arg1, %mul3A_430 : i32
    %dma_start3A_432 = arith.constant 0 : i32
    %dma_start3A_433 = tpu.memref_slice %arg12[%mul3A_431, %dma_start3A_432] : memref<128x128xf32, #tpu.memory_space<vmem_shared>> -> memref<8x128xf32, #tpu.memory_space<vmem_shared>>
    %dma_start3A_434 = arith.constant 0 : i32
    %dma_start3A_435 = tpu.memref_slice %arg12[%mul3A_431, %dma_start3A_434] : memref<128x128xf32, #tpu.memory_space<vmem_shared>> -> memref<8x128xf32, #tpu.memory_space<vmem_shared>>
    tpu.enqueue_dma source(%arg11 : memref<8x128xf32, #tpu.memory_space<vmem>>) target(%dma_start3A_435 : memref<8x128xf32, #tpu.memory_space<vmem_shared>>) target_semaphore(%arg18 : memref<!tpu.dma_semaphore, #tpu.memory_space<semaphore_mem>>)
    %add3A_436 = arith.constant 0 : i32
    %add3A_437 = arith.addi %mul3A_2, %add3A_436 : i32
    %dma_start3A_438 = arith.constant 0 : i32
    %dma_start3A_439 = arith.constant 0 : i32
    %dma_start3A_440 = tpu.memref_slice %arg5[%dma_start3A_438, %dma_start3A_439] : memref<312x128xf32, #tpu.memory_space<vmem>> -> memref<16x128xf32, #tpu.memory_space<vmem>>
    %dma_start3A_441 = arith.constant 0 : i32
    %dma_start3A_442 = tpu.memref_slice %arg2[%add3A_437, %dma_start3A_441] : memref<10000x128xf32, #tpu.memory_space<hbm>> -> memref<16x128xf32, #tpu.memory_space<hbm>>
    %dma_start3A_443 = arith.constant 0 : i32
    %dma_start3A_444 = arith.constant 0 : i32
    %dma_start3A_445 = tpu.memref_slice %arg5[%dma_start3A_443, %dma_start3A_444] : memref<312x128xf32, #tpu.memory_space<vmem>> -> memref<16x128xf32, #tpu.memory_space<vmem>>
    %dma_start3A_446 = arith.constant 0 : i32
    %dma_start3A_447 = tpu.memref_slice %arg2[%add3A_437, %dma_start3A_446] : memref<10000x128xf32, #tpu.memory_space<hbm>> -> memref<16x128xf32, #tpu.memory_space<hbm>>
    tpu.enqueue_dma source(%dma_start3A_447 : memref<16x128xf32, #tpu.memory_space<hbm>>) target(%dma_start3A_445 : memref<16x128xf32, #tpu.memory_space<vmem>>) target_semaphore(%arg13 : memref<!tpu.dma_semaphore, #tpu.memory_space<semaphore_mem>>)
    %add3A_448 = arith.constant 16 : i32
    %add3A_449 = arith.addi %mul3A_2, %add3A_448 : i32
    %dma_start3A_450 = arith.constant 16 : i32
    %dma_start3A_451 = arith.constant 0 : i32
    %dma_start3A_452 = tpu.memref_slice %arg5[%dma_start3A_450, %dma_start3A_451] : memref<312x128xf32, #tpu.memory_space<vmem>> -> memref<88x128xf32, #tpu.memory_space<vmem>>
    %dma_start3A_453 = arith.constant 0 : i32
    %dma_start3A_454 = tpu.memref_slice %arg2[%add3A_449, %dma_start3A_453] : memref<10000x128xf32, #tpu.memory_space<hbm>> -> memref<88x128xf32, #tpu.memory_space<hbm>>
    %dma_start3A_455 = arith.constant 16 : i32
    %dma_start3A_456 = arith.constant 0 : i32
    %dma_start3A_457 = tpu.memref_slice %arg5[%dma_start3A_455, %dma_start3A_456] : memref<312x128xf32, #tpu.memory_space<vmem>> -> memref<88x128xf32, #tpu.memory_space<vmem>>
    %dma_start3A_458 = arith.constant 0 : i32
    %dma_start3A_459 = tpu.memref_slice %arg2[%add3A_449, %dma_start3A_458] : memref<10000x128xf32, #tpu.memory_space<hbm>> -> memref<88x128xf32, #tpu.memory_space<hbm>>
    tpu.enqueue_dma source(%dma_start3A_459 : memref<88x128xf32, #tpu.memory_space<hbm>>) target(%dma_start3A_457 : memref<88x128xf32, #tpu.memory_space<vmem>>) target_semaphore(%arg14 : memref<!tpu.dma_semaphore, #tpu.memory_space<semaphore_mem>>)
    %add3A_460 = arith.constant 104 : i32
    %add3A_461 = arith.addi %mul3A_2, %add3A_460 : i32
    %dma_start3A_462 = arith.constant 104 : i32
    %dma_start3A_463 = arith.constant 0 : i32
    %dma_start3A_464 = tpu.memref_slice %arg5[%dma_start3A_462, %dma_start3A_463] : memref<312x128xf32, #tpu.memory_space<vmem>> -> memref<104x128xf32, #tpu.memory_space<vmem>>
    %dma_start3A_465 = arith.constant 0 : i32
    %dma_start3A_466 = tpu.memref_slice %arg2[%add3A_461, %dma_start3A_465] : memref<10000x128xf32, #tpu.memory_space<hbm>> -> memref<104x128xf32, #tpu.memory_space<hbm>>
    %dma_start3A_467 = arith.constant 104 : i32
    %dma_start3A_468 = arith.constant 0 : i32
    %dma_start3A_469 = tpu.memref_slice %arg5[%dma_start3A_467, %dma_start3A_468] : memref<312x128xf32, #tpu.memory_space<vmem>> -> memref<104x128xf32, #tpu.memory_space<vmem>>
    %dma_start3A_470 = arith.constant 0 : i32
    %dma_start3A_471 = tpu.memref_slice %arg2[%add3A_461, %dma_start3A_470] : memref<10000x128xf32, #tpu.memory_space<hbm>> -> memref<104x128xf32, #tpu.memory_space<hbm>>
    tpu.enqueue_dma source(%dma_start3A_471 : memref<104x128xf32, #tpu.memory_space<hbm>>) target(%dma_start3A_469 : memref<104x128xf32, #tpu.memory_space<vmem>>) target_semaphore(%arg15 : memref<!tpu.dma_semaphore, #tpu.memory_space<semaphore_mem>>)
    %add3A_472 = arith.constant 208 : i32
    %add3A_473 = arith.addi %mul3A_2, %add3A_472 : i32
    %dma_start3A_474 = arith.constant 208 : i32
    %dma_start3A_475 = arith.constant 0 : i32
    %dma_start3A_476 = tpu.memref_slice %arg5[%dma_start3A_474, %dma_start3A_475] : memref<312x128xf32, #tpu.memory_space<vmem>> -> memref<104x128xf32, #tpu.memory_space<vmem>>
    %dma_start3A_477 = arith.constant 0 : i32
    %dma_start3A_478 = tpu.memref_slice %arg2[%add3A_473, %dma_start3A_477] : memref<10000x128xf32, #tpu.memory_space<hbm>> -> memref<104x128xf32, #tpu.memory_space<hbm>>
    %dma_start3A_479 = arith.constant 208 : i32
    %dma_start3A_480 = arith.constant 0 : i32
    %dma_start3A_481 = tpu.memref_slice %arg5[%dma_start3A_479, %dma_start3A_480] : memref<312x128xf32, #tpu.memory_space<vmem>> -> memref<104x128xf32, #tpu.memory_space<vmem>>
    %dma_start3A_482 = arith.constant 0 : i32
    %dma_start3A_483 = tpu.memref_slice %arg2[%add3A_473, %dma_start3A_482] : memref<10000x128xf32, #tpu.memory_space<hbm>> -> memref<104x128xf32, #tpu.memory_space<hbm>>
    tpu.enqueue_dma source(%dma_start3A_483 : memref<104x128xf32, #tpu.memory_space<hbm>>) target(%dma_start3A_481 : memref<104x128xf32, #tpu.memory_space<vmem>>) target_semaphore(%arg16 : memref<!tpu.dma_semaphore, #tpu.memory_space<semaphore_mem>>)
    %eq3A = arith.constant 0 : i32
    %eq3A_484 = arith.cmpi eq, %add3A, %eq3A : i32
    %convert_element_type3A = arith.extui %eq3A_484 : i1 to i32
    %cond3A = arith.constant 0 : i32
    %cond3A_485 = arith.cmpi ne, %convert_element_type3A, %cond3A : i32
    scf.if %cond3A_485 {
      %dma_start3A_654 = arith.constant 0 : i32
      %dma_start3A_655 = arith.constant 0 : i32
      %dma_start3A_656 = tpu.memref_slice %arg10[%dma_start3A_654, %dma_start3A_655] : memref<1x16xi32, #tpu.memory_space<vmem>> -> memref<1x16xi32, #tpu.memory_space<vmem>>
      %dma_start3A_657 = tpu.memref_squeeze %dma_start3A_656 : memref<1x16xi32, #tpu.memory_space<vmem>> -> memref<16xi32, #tpu.memory_space<vmem>>
      %dma_start3A_658 = arith.constant 9984 : i32
      %dma_start3A_659 = tpu.memref_slice %arg3[%dma_start3A_658] : memref<10000xi32, #tpu.memory_space<hbm>> -> memref<16xi32, #tpu.memory_space<hbm>>
      %dma_start3A_660 = arith.constant 0 : i32
      %dma_start3A_661 = tpu.memref_slice %arg10[%dma_start3A_654, %dma_start3A_660] : memref<1x16xi32, #tpu.memory_space<vmem>> -> memref<1x16xi32, #tpu.memory_space<vmem>>
      %dma_start3A_662 = tpu.memref_squeeze %dma_start3A_661 : memref<1x16xi32, #tpu.memory_space<vmem>> -> memref<16xi32, #tpu.memory_space<vmem>>
      %dma_start3A_663 = arith.constant 9984 : i32
      %dma_start3A_664 = tpu.memref_slice %arg3[%dma_start3A_663] : memref<10000xi32, #tpu.memory_space<hbm>> -> memref<16xi32, #tpu.memory_space<hbm>>
      tpu.enqueue_dma source(%dma_start3A_664 : memref<16xi32, #tpu.memory_space<hbm>>) target(%dma_start3A_662 : memref<16xi32, #tpu.memory_space<vmem>>) target_semaphore(%arg17 : memref<!tpu.dma_semaphore, #tpu.memory_space<semaphore_mem>>)
      %dma_start3A_665 = arith.constant 0 : i32
      %dma_start3A_666 = arith.constant 0 : i32
      %dma_start3A_667 = tpu.memref_slice %arg9[%dma_start3A_665, %dma_start3A_666] : memref<16x128xf32, #tpu.memory_space<vmem>> -> memref<16x128xf32, #tpu.memory_space<vmem>>
      %dma_start3A_668 = arith.constant 9984 : i32
      %dma_start3A_669 = arith.constant 0 : i32
      %dma_start3A_670 = tpu.memref_slice %arg2[%dma_start3A_668, %dma_start3A_669] : memref<10000x128xf32, #tpu.memory_space<hbm>> -> memref<16x128xf32, #tpu.memory_space<hbm>>
      %dma_start3A_671 = arith.constant 0 : i32
      %dma_start3A_672 = arith.constant 0 : i32
      %dma_start3A_673 = tpu.memref_slice %arg9[%dma_start3A_671, %dma_start3A_672] : memref<16x128xf32, #tpu.memory_space<vmem>> -> memref<16x128xf32, #tpu.memory_space<vmem>>
      %dma_start3A_674 = arith.constant 9984 : i32
      %dma_start3A_675 = arith.constant 0 : i32
      %dma_start3A_676 = tpu.memref_slice %arg2[%dma_start3A_674, %dma_start3A_675] : memref<10000x128xf32, #tpu.memory_space<hbm>> -> memref<16x128xf32, #tpu.memory_space<hbm>>
      tpu.enqueue_dma source(%dma_start3A_676 : memref<16x128xf32, #tpu.memory_space<hbm>>) target(%dma_start3A_673 : memref<16x128xf32, #tpu.memory_space<vmem>>) target_semaphore(%arg14 : memref<!tpu.dma_semaphore, #tpu.memory_space<semaphore_mem>>)
    } else {
    }
    %dma_wait3A = arith.constant 0 : i32
    %dma_wait3A_486 = arith.constant 0 : i32
    %dma_wait3A_487 = tpu.memref_slice %arg6[%dma_wait3A, %dma_wait3A_486] : memref<1x16xi32, #tpu.memory_space<vmem>> -> memref<1x16xi32, #tpu.memory_space<vmem>>
    %dma_wait3A_488 = tpu.memref_squeeze %dma_wait3A_487 : memref<1x16xi32, #tpu.memory_space<vmem>> -> memref<16xi32, #tpu.memory_space<vmem>>
    %dma_wait3A_489 = tpu.memref_slice %arg3[%add3A_4] : memref<10000xi32, #tpu.memory_space<hbm>> -> memref<16xi32, #tpu.memory_space<hbm>>
    %dma_wait3A_490 = arith.constant 0 : i32
    %dma_wait3A_491 = tpu.memref_slice %arg6[%dma_wait3A, %dma_wait3A_490] : memref<1x16xi32, #tpu.memory_space<vmem>> -> memref<1x16xi32, #tpu.memory_space<vmem>>
    %dma_wait3A_492 = tpu.memref_squeeze %dma_wait3A_491 : memref<1x16xi32, #tpu.memory_space<vmem>> -> memref<16xi32, #tpu.memory_space<vmem>>
    %dma_wait3A_493 = tpu.memref_slice %arg3[%add3A_4] : memref<10000xi32, #tpu.memory_space<hbm>> -> memref<16xi32, #tpu.memory_space<hbm>>
    tpu.wait_dma2 semaphore(%arg17 : memref<!tpu.dma_semaphore, #tpu.memory_space<semaphore_mem>>) src(%dma_wait3A_493 : memref<16xi32, #tpu.memory_space<hbm>>) dst(%dma_wait3A_492 : memref<16xi32, #tpu.memory_space<vmem>>)
    %dma_wait3A_494 = arith.constant 0 : i32
    %dma_wait3A_495 = arith.constant 0 : i32
    %dma_wait3A_496 = tpu.memref_slice %arg7[%dma_wait3A_494, %dma_wait3A_495] : memref<1x88xi32, #tpu.memory_space<vmem>> -> memref<1x88xi32, #tpu.memory_space<vmem>>
    %dma_wait3A_497 = tpu.memref_squeeze %dma_wait3A_496 : memref<1x88xi32, #tpu.memory_space<vmem>> -> memref<88xi32, #tpu.memory_space<vmem>>
    %dma_wait3A_498 = tpu.memref_slice %arg3[%add3A_14] : memref<10000xi32, #tpu.memory_space<hbm>> -> memref<88xi32, #tpu.memory_space<hbm>>
    %dma_wait3A_499 = arith.constant 0 : i32
    %dma_wait3A_500 = tpu.memref_slice %arg7[%dma_wait3A_494, %dma_wait3A_499] : memref<1x88xi32, #tpu.memory_space<vmem>> -> memref<1x88xi32, #tpu.memory_space<vmem>>
    %dma_wait3A_501 = tpu.memref_squeeze %dma_wait3A_500 : memref<1x88xi32, #tpu.memory_space<vmem>> -> memref<88xi32, #tpu.memory_space<vmem>>
    %dma_wait3A_502 = tpu.memref_slice %arg3[%add3A_14] : memref<10000xi32, #tpu.memory_space<hbm>> -> memref<88xi32, #tpu.memory_space<hbm>>
    tpu.wait_dma2 semaphore(%arg17 : memref<!tpu.dma_semaphore, #tpu.memory_space<semaphore_mem>>) src(%dma_wait3A_502 : memref<88xi32, #tpu.memory_space<hbm>>) dst(%dma_wait3A_501 : memref<88xi32, #tpu.memory_space<vmem>>)
    %dma_wait3A_503 = arith.constant 0 : i32
    %dma_wait3A_504 = arith.constant 0 : i32
    %dma_wait3A_505 = tpu.memref_slice %arg8[%dma_wait3A_503, %dma_wait3A_504] : memref<2x104xi32, #tpu.memory_space<vmem>> -> memref<1x104xi32, #tpu.memory_space<vmem>>
    %dma_wait3A_506 = tpu.memref_squeeze %dma_wait3A_505 : memref<1x104xi32, #tpu.memory_space<vmem>> -> memref<104xi32, #tpu.memory_space<vmem>>
    %dma_wait3A_507 = tpu.memref_slice %arg3[%add3A_25] : memref<10000xi32, #tpu.memory_space<hbm>> -> memref<104xi32, #tpu.memory_space<hbm>>
    %dma_wait3A_508 = arith.constant 0 : i32
    %dma_wait3A_509 = tpu.memref_slice %arg8[%dma_wait3A_503, %dma_wait3A_508] : memref<2x104xi32, #tpu.memory_space<vmem>> -> memref<1x104xi32, #tpu.memory_space<vmem>>
    %dma_wait3A_510 = tpu.memref_squeeze %dma_wait3A_509 : memref<1x104xi32, #tpu.memory_space<vmem>> -> memref<104xi32, #tpu.memory_space<vmem>>
    %dma_wait3A_511 = tpu.memref_slice %arg3[%add3A_25] : memref<10000xi32, #tpu.memory_space<hbm>> -> memref<104xi32, #tpu.memory_space<hbm>>
    tpu.wait_dma2 semaphore(%arg17 : memref<!tpu.dma_semaphore, #tpu.memory_space<semaphore_mem>>) src(%dma_wait3A_511 : memref<104xi32, #tpu.memory_space<hbm>>) dst(%dma_wait3A_510 : memref<104xi32, #tpu.memory_space<vmem>>)
    %dma_wait3A_512 = arith.constant 1 : i32
    %dma_wait3A_513 = arith.constant 0 : i32
    %dma_wait3A_514 = tpu.memref_slice %arg8[%dma_wait3A_512, %dma_wait3A_513] : memref<2x104xi32, #tpu.memory_space<vmem>> -> memref<1x104xi32, #tpu.memory_space<vmem>>
    %dma_wait3A_515 = tpu.memref_squeeze %dma_wait3A_514 : memref<1x104xi32, #tpu.memory_space<vmem>> -> memref<104xi32, #tpu.memory_space<vmem>>
    %dma_wait3A_516 = tpu.memref_slice %arg3[%add3A_36] : memref<10000xi32, #tpu.memory_space<hbm>> -> memref<104xi32, #tpu.memory_space<hbm>>
    %dma_wait3A_517 = arith.constant 0 : i32
    %dma_wait3A_518 = tpu.memref_slice %arg8[%dma_wait3A_512, %dma_wait3A_517] : memref<2x104xi32, #tpu.memory_space<vmem>> -> memref<1x104xi32, #tpu.memory_space<vmem>>
    %dma_wait3A_519 = tpu.memref_squeeze %dma_wait3A_518 : memref<1x104xi32, #tpu.memory_space<vmem>> -> memref<104xi32, #tpu.memory_space<vmem>>
    %dma_wait3A_520 = tpu.memref_slice %arg3[%add3A_36] : memref<10000xi32, #tpu.memory_space<hbm>> -> memref<104xi32, #tpu.memory_space<hbm>>
    tpu.wait_dma2 semaphore(%arg17 : memref<!tpu.dma_semaphore, #tpu.memory_space<semaphore_mem>>) src(%dma_wait3A_520 : memref<104xi32, #tpu.memory_space<hbm>>) dst(%dma_wait3A_519 : memref<104xi32, #tpu.memory_space<vmem>>)
    %dma_wait3A_521 = arith.constant 0 : i32
    %dma_wait3A_522 = tpu.memref_slice %arg12[%mul3A_431, %dma_wait3A_521] : memref<128x128xf32, #tpu.memory_space<vmem_shared>> -> memref<8x128xf32, #tpu.memory_space<vmem_shared>>
    %dma_wait3A_523 = arith.constant 0 : i32
    %dma_wait3A_524 = tpu.memref_slice %arg12[%mul3A_431, %dma_wait3A_523] : memref<128x128xf32, #tpu.memory_space<vmem_shared>> -> memref<8x128xf32, #tpu.memory_space<vmem_shared>>
    tpu.wait_dma2 semaphore(%arg18 : memref<!tpu.dma_semaphore, #tpu.memory_space<semaphore_mem>>) src(%arg11 : memref<8x128xf32, #tpu.memory_space<vmem>>) dst(%dma_wait3A_524 : memref<8x128xf32, #tpu.memory_space<vmem_shared>>)
    %barrier3A = arith.constant 0 : index
    tpu.barrier barrier_id(%barrier3A)
    %dma_wait3A_525 = arith.constant 0 : i32
    %dma_wait3A_526 = arith.constant 0 : i32
    %dma_wait3A_527 = tpu.memref_slice %arg5[%dma_wait3A_525, %dma_wait3A_526] : memref<312x128xf32, #tpu.memory_space<vmem>> -> memref<16x128xf32, #tpu.memory_space<vmem>>
    %dma_wait3A_528 = arith.constant 0 : i32
    %dma_wait3A_529 = tpu.memref_slice %arg2[%add3A_437, %dma_wait3A_528] : memref<10000x128xf32, #tpu.memory_space<hbm>> -> memref<16x128xf32, #tpu.memory_space<hbm>>
    %dma_wait3A_530 = arith.constant 0 : i32
    %dma_wait3A_531 = arith.constant 0 : i32
    %dma_wait3A_532 = tpu.memref_slice %arg5[%dma_wait3A_530, %dma_wait3A_531] : memref<312x128xf32, #tpu.memory_space<vmem>> -> memref<16x128xf32, #tpu.memory_space<vmem>>
    %dma_wait3A_533 = arith.constant 0 : i32
    %dma_wait3A_534 = tpu.memref_slice %arg2[%add3A_437, %dma_wait3A_533] : memref<10000x128xf32, #tpu.memory_space<hbm>> -> memref<16x128xf32, #tpu.memory_space<hbm>>
    tpu.wait_dma2 semaphore(%arg13 : memref<!tpu.dma_semaphore, #tpu.memory_space<semaphore_mem>>) src(%dma_wait3A_534 : memref<16x128xf32, #tpu.memory_space<hbm>>) dst(%dma_wait3A_532 : memref<16x128xf32, #tpu.memory_space<vmem>>)
    %dma_start3A_535 = arith.constant 0 : i32
    %dma_start3A_536 = arith.constant 0 : i32
    %dma_start3A_537 = arith.constant 0 : i32
    %dma_start3A_538 = tpu.memref_slice %arg5[%dma_start3A_536, %dma_start3A_537] : memref<312x128xf32, #tpu.memory_space<vmem>> -> memref<16x128xf32, #tpu.memory_space<vmem>>
    %dma_start3A_539 = arith.constant 0 : i32
    %dma_start3A_540 = tpu.memref_slice %arg6[%dma_start3A_535, %dma_start3A_539] : memref<1x16xi32, #tpu.memory_space<vmem>> -> memref<1x16xi32, #tpu.memory_space<vmem>>
    %dma_start3A_541 = tpu.memref_squeeze %dma_start3A_540 : memref<1x16xi32, #tpu.memory_space<vmem>> -> memref<16xi32, #tpu.memory_space<vmem>>
    %dma_start3A_542 = arith.constant 0 : i32
    %dma_start3A_543 = arith.constant 0 : i32
    %dma_start3A_544 = tpu.memref_slice %arg12[%dma_start3A_542, %dma_start3A_543] : memref<128x128xf32, #tpu.memory_space<vmem_shared>> -> memref<128x128xf32, #tpu.memory_space<vmem_shared>>
    tpu.enqueue_indirect_dma source(%dma_start3A_538 : memref<16x128xf32, #tpu.memory_space<vmem>>) target(%dma_start3A_544 : memref<128x128xf32, #tpu.memory_space<vmem_shared>>) offsets(%dma_start3A_541 : memref<16xi32, #tpu.memory_space<vmem>>) semaphore(%arg18 : memref<!tpu.dma_semaphore, #tpu.memory_space<semaphore_mem>>) {add = true}
    %dma_wait3A_545 = arith.constant 16 : i32
    %dma_wait3A_546 = arith.constant 0 : i32
    %dma_wait3A_547 = tpu.memref_slice %arg5[%dma_wait3A_545, %dma_wait3A_546] : memref<312x128xf32, #tpu.memory_space<vmem>> -> memref<88x128xf32, #tpu.memory_space<vmem>>
    %dma_wait3A_548 = arith.constant 0 : i32
    %dma_wait3A_549 = tpu.memref_slice %arg2[%add3A_449, %dma_wait3A_548] : memref<10000x128xf32, #tpu.memory_space<hbm>> -> memref<88x128xf32, #tpu.memory_space<hbm>>
    %dma_wait3A_550 = arith.constant 16 : i32
    %dma_wait3A_551 = arith.constant 0 : i32
    %dma_wait3A_552 = tpu.memref_slice %arg5[%dma_wait3A_550, %dma_wait3A_551] : memref<312x128xf32, #tpu.memory_space<vmem>> -> memref<88x128xf32, #tpu.memory_space<vmem>>
    %dma_wait3A_553 = arith.constant 0 : i32
    %dma_wait3A_554 = tpu.memref_slice %arg2[%add3A_449, %dma_wait3A_553] : memref<10000x128xf32, #tpu.memory_space<hbm>> -> memref<88x128xf32, #tpu.memory_space<hbm>>
    tpu.wait_dma2 semaphore(%arg14 : memref<!tpu.dma_semaphore, #tpu.memory_space<semaphore_mem>>) src(%dma_wait3A_554 : memref<88x128xf32, #tpu.memory_space<hbm>>) dst(%dma_wait3A_552 : memref<88x128xf32, #tpu.memory_space<vmem>>)
    %dma_start3A_555 = arith.constant 0 : i32
    %dma_start3A_556 = arith.constant 16 : i32
    %dma_start3A_557 = arith.constant 0 : i32
    %dma_start3A_558 = tpu.memref_slice %arg5[%dma_start3A_556, %dma_start3A_557] : memref<312x128xf32, #tpu.memory_space<vmem>> -> memref<88x128xf32, #tpu.memory_space<vmem>>
    %dma_start3A_559 = arith.constant 0 : i32
    %dma_start3A_560 = tpu.memref_slice %arg7[%dma_start3A_555, %dma_start3A_559] : memref<1x88xi32, #tpu.memory_space<vmem>> -> memref<1x88xi32, #tpu.memory_space<vmem>>
    %dma_start3A_561 = tpu.memref_squeeze %dma_start3A_560 : memref<1x88xi32, #tpu.memory_space<vmem>> -> memref<88xi32, #tpu.memory_space<vmem>>
    %dma_start3A_562 = arith.constant 0 : i32
    %dma_start3A_563 = arith.constant 0 : i32
    %dma_start3A_564 = tpu.memref_slice %arg12[%dma_start3A_562, %dma_start3A_563] : memref<128x128xf32, #tpu.memory_space<vmem_shared>> -> memref<128x128xf32, #tpu.memory_space<vmem_shared>>
    tpu.enqueue_indirect_dma source(%dma_start3A_558 : memref<88x128xf32, #tpu.memory_space<vmem>>) target(%dma_start3A_564 : memref<128x128xf32, #tpu.memory_space<vmem_shared>>) offsets(%dma_start3A_561 : memref<88xi32, #tpu.memory_space<vmem>>) semaphore(%arg18 : memref<!tpu.dma_semaphore, #tpu.memory_space<semaphore_mem>>) {add = true}
    %dma_wait3A_565 = arith.constant 104 : i32
    %dma_wait3A_566 = arith.constant 0 : i32
    %dma_wait3A_567 = tpu.memref_slice %arg5[%dma_wait3A_565, %dma_wait3A_566] : memref<312x128xf32, #tpu.memory_space<vmem>> -> memref<104x128xf32, #tpu.memory_space<vmem>>
    %dma_wait3A_568 = arith.constant 0 : i32
    %dma_wait3A_569 = tpu.memref_slice %arg2[%add3A_461, %dma_wait3A_568] : memref<10000x128xf32, #tpu.memory_space<hbm>> -> memref<104x128xf32, #tpu.memory_space<hbm>>
    %dma_wait3A_570 = arith.constant 104 : i32
    %dma_wait3A_571 = arith.constant 0 : i32
    %dma_wait3A_572 = tpu.memref_slice %arg5[%dma_wait3A_570, %dma_wait3A_571] : memref<312x128xf32, #tpu.memory_space<vmem>> -> memref<104x128xf32, #tpu.memory_space<vmem>>
    %dma_wait3A_573 = arith.constant 0 : i32
    %dma_wait3A_574 = tpu.memref_slice %arg2[%add3A_461, %dma_wait3A_573] : memref<10000x128xf32, #tpu.memory_space<hbm>> -> memref<104x128xf32, #tpu.memory_space<hbm>>
    tpu.wait_dma2 semaphore(%arg15 : memref<!tpu.dma_semaphore, #tpu.memory_space<semaphore_mem>>) src(%dma_wait3A_574 : memref<104x128xf32, #tpu.memory_space<hbm>>) dst(%dma_wait3A_572 : memref<104x128xf32, #tpu.memory_space<vmem>>)
    %dma_start3A_575 = arith.constant 0 : i32
    %dma_start3A_576 = arith.constant 104 : i32
    %dma_start3A_577 = arith.constant 0 : i32
    %dma_start3A_578 = tpu.memref_slice %arg5[%dma_start3A_576, %dma_start3A_577] : memref<312x128xf32, #tpu.memory_space<vmem>> -> memref<104x128xf32, #tpu.memory_space<vmem>>
    %dma_start3A_579 = arith.constant 0 : i32
    %dma_start3A_580 = tpu.memref_slice %arg8[%dma_start3A_575, %dma_start3A_579] : memref<2x104xi32, #tpu.memory_space<vmem>> -> memref<1x104xi32, #tpu.memory_space<vmem>>
    %dma_start3A_581 = tpu.memref_squeeze %dma_start3A_580 : memref<1x104xi32, #tpu.memory_space<vmem>> -> memref<104xi32, #tpu.memory_space<vmem>>
    %dma_start3A_582 = arith.constant 0 : i32
    %dma_start3A_583 = arith.constant 0 : i32
    %dma_start3A_584 = tpu.memref_slice %arg12[%dma_start3A_582, %dma_start3A_583] : memref<128x128xf32, #tpu.memory_space<vmem_shared>> -> memref<128x128xf32, #tpu.memory_space<vmem_shared>>
    tpu.enqueue_indirect_dma source(%dma_start3A_578 : memref<104x128xf32, #tpu.memory_space<vmem>>) target(%dma_start3A_584 : memref<128x128xf32, #tpu.memory_space<vmem_shared>>) offsets(%dma_start3A_581 : memref<104xi32, #tpu.memory_space<vmem>>) semaphore(%arg18 : memref<!tpu.dma_semaphore, #tpu.memory_space<semaphore_mem>>) {add = true}
    %dma_wait3A_585 = arith.constant 208 : i32
    %dma_wait3A_586 = arith.constant 0 : i32
    %dma_wait3A_587 = tpu.memref_slice %arg5[%dma_wait3A_585, %dma_wait3A_586] : memref<312x128xf32, #tpu.memory_space<vmem>> -> memref<104x128xf32, #tpu.memory_space<vmem>>
    %dma_wait3A_588 = arith.constant 0 : i32
    %dma_wait3A_589 = tpu.memref_slice %arg2[%add3A_473, %dma_wait3A_588] : memref<10000x128xf32, #tpu.memory_space<hbm>> -> memref<104x128xf32, #tpu.memory_space<hbm>>
    %dma_wait3A_590 = arith.constant 208 : i32
    %dma_wait3A_591 = arith.constant 0 : i32
    %dma_wait3A_592 = tpu.memref_slice %arg5[%dma_wait3A_590, %dma_wait3A_591] : memref<312x128xf32, #tpu.memory_space<vmem>> -> memref<104x128xf32, #tpu.memory_space<vmem>>
    %dma_wait3A_593 = arith.constant 0 : i32
    %dma_wait3A_594 = tpu.memref_slice %arg2[%add3A_473, %dma_wait3A_593] : memref<10000x128xf32, #tpu.memory_space<hbm>> -> memref<104x128xf32, #tpu.memory_space<hbm>>
    tpu.wait_dma2 semaphore(%arg16 : memref<!tpu.dma_semaphore, #tpu.memory_space<semaphore_mem>>) src(%dma_wait3A_594 : memref<104x128xf32, #tpu.memory_space<hbm>>) dst(%dma_wait3A_592 : memref<104x128xf32, #tpu.memory_space<vmem>>)
    %dma_start3A_595 = arith.constant 1 : i32
    %dma_start3A_596 = arith.constant 208 : i32
    %dma_start3A_597 = arith.constant 0 : i32
    %dma_start3A_598 = tpu.memref_slice %arg5[%dma_start3A_596, %dma_start3A_597] : memref<312x128xf32, #tpu.memory_space<vmem>> -> memref<104x128xf32, #tpu.memory_space<vmem>>
    %dma_start3A_599 = arith.constant 0 : i32
    %dma_start3A_600 = tpu.memref_slice %arg8[%dma_start3A_595, %dma_start3A_599] : memref<2x104xi32, #tpu.memory_space<vmem>> -> memref<1x104xi32, #tpu.memory_space<vmem>>
    %dma_start3A_601 = tpu.memref_squeeze %dma_start3A_600 : memref<1x104xi32, #tpu.memory_space<vmem>> -> memref<104xi32, #tpu.memory_space<vmem>>
    %dma_start3A_602 = arith.constant 0 : i32
    %dma_start3A_603 = arith.constant 0 : i32
    %dma_start3A_604 = tpu.memref_slice %arg12[%dma_start3A_602, %dma_start3A_603] : memref<128x128xf32, #tpu.memory_space<vmem_shared>> -> memref<128x128xf32, #tpu.memory_space<vmem_shared>>
    tpu.enqueue_indirect_dma source(%dma_start3A_598 : memref<104x128xf32, #tpu.memory_space<vmem>>) target(%dma_start3A_604 : memref<128x128xf32, #tpu.memory_space<vmem_shared>>) offsets(%dma_start3A_601 : memref<104xi32, #tpu.memory_space<vmem>>) semaphore(%arg18 : memref<!tpu.dma_semaphore, #tpu.memory_space<semaphore_mem>>) {add = true}
    %eq3A_605 = arith.constant 0 : i32
    %eq3A_606 = arith.cmpi eq, %add3A, %eq3A_605 : i32
    %convert_element_type3A_607 = arith.extui %eq3A_606 : i1 to i32
    %cond3A_608 = arith.constant 0 : i32
    %cond3A_609 = arith.cmpi ne, %convert_element_type3A_607, %cond3A_608 : i32
    scf.if %cond3A_609 {
      %dma_wait3A_654 = arith.constant 0 : i32
      %dma_wait3A_655 = arith.constant 0 : i32
      %dma_wait3A_656 = tpu.memref_slice %arg10[%dma_wait3A_654, %dma_wait3A_655] : memref<1x16xi32, #tpu.memory_space<vmem>> -> memref<1x16xi32, #tpu.memory_space<vmem>>
      %dma_wait3A_657 = tpu.memref_squeeze %dma_wait3A_656 : memref<1x16xi32, #tpu.memory_space<vmem>> -> memref<16xi32, #tpu.memory_space<vmem>>
      %dma_wait3A_658 = arith.constant 9984 : i32
      %dma_wait3A_659 = tpu.memref_slice %arg3[%dma_wait3A_658] : memref<10000xi32, #tpu.memory_space<hbm>> -> memref<16xi32, #tpu.memory_space<hbm>>
      %dma_wait3A_660 = arith.constant 0 : i32
      %dma_wait3A_661 = tpu.memref_slice %arg10[%dma_wait3A_654, %dma_wait3A_660] : memref<1x16xi32, #tpu.memory_space<vmem>> -> memref<1x16xi32, #tpu.memory_space<vmem>>
      %dma_wait3A_662 = tpu.memref_squeeze %dma_wait3A_661 : memref<1x16xi32, #tpu.memory_space<vmem>> -> memref<16xi32, #tpu.memory_space<vmem>>
      %dma_wait3A_663 = arith.constant 9984 : i32
      %dma_wait3A_664 = tpu.memref_slice %arg3[%dma_wait3A_663] : memref<10000xi32, #tpu.memory_space<hbm>> -> memref<16xi32, #tpu.memory_space<hbm>>
      tpu.wait_dma2 semaphore(%arg17 : memref<!tpu.dma_semaphore, #tpu.memory_space<semaphore_mem>>) src(%dma_wait3A_664 : memref<16xi32, #tpu.memory_space<hbm>>) dst(%dma_wait3A_662 : memref<16xi32, #tpu.memory_space<vmem>>)
      %dma_wait3A_665 = arith.constant 0 : i32
      %dma_wait3A_666 = arith.constant 0 : i32
      %dma_wait3A_667 = tpu.memref_slice %arg9[%dma_wait3A_665, %dma_wait3A_666] : memref<16x128xf32, #tpu.memory_space<vmem>> -> memref<16x128xf32, #tpu.memory_space<vmem>>
      %dma_wait3A_668 = arith.constant 9984 : i32
      %dma_wait3A_669 = arith.constant 0 : i32
      %dma_wait3A_670 = tpu.memref_slice %arg2[%dma_wait3A_668, %dma_wait3A_669] : memref<10000x128xf32, #tpu.memory_space<hbm>> -> memref<16x128xf32, #tpu.memory_space<hbm>>
      %dma_wait3A_671 = arith.constant 0 : i32
      %dma_wait3A_672 = arith.constant 0 : i32
      %dma_wait3A_673 = tpu.memref_slice %arg9[%dma_wait3A_671, %dma_wait3A_672] : memref<16x128xf32, #tpu.memory_space<vmem>> -> memref<16x128xf32, #tpu.memory_space<vmem>>
      %dma_wait3A_674 = arith.constant 9984 : i32
      %dma_wait3A_675 = arith.constant 0 : i32
      %dma_wait3A_676 = tpu.memref_slice %arg2[%dma_wait3A_674, %dma_wait3A_675] : memref<10000x128xf32, #tpu.memory_space<hbm>> -> memref<16x128xf32, #tpu.memory_space<hbm>>
      tpu.wait_dma2 semaphore(%arg14 : memref<!tpu.dma_semaphore, #tpu.memory_space<semaphore_mem>>) src(%dma_wait3A_676 : memref<16x128xf32, #tpu.memory_space<hbm>>) dst(%dma_wait3A_673 : memref<16x128xf32, #tpu.memory_space<vmem>>)
      %run_scoped3A = arith.constant 0 : i32
      "tpu.region"() ({
        %run_scoped3A_677 = tpu.sem_alloc : memref<!tpu.dma_semaphore, #tpu.memory_space<semaphore_mem>>
        %dma_start3A_678 = arith.constant 0 : i32
        %dma_start3A_679 = arith.constant 0 : i32
        %dma_start3A_680 = tpu.memref_slice %arg9[%dma_start3A_678, %dma_start3A_679] : memref<16x128xf32, #tpu.memory_space<vmem>> -> memref<16x128xf32, #tpu.memory_space<vmem>>
        %dma_start3A_681 = arith.constant 0 : i32
        %dma_start3A_682 = tpu.memref_slice %arg10[%run_scoped3A, %dma_start3A_681] : memref<1x16xi32, #tpu.memory_space<vmem>> -> memref<1x16xi32, #tpu.memory_space<vmem>>
        %dma_start3A_683 = tpu.memref_squeeze %dma_start3A_682 : memref<1x16xi32, #tpu.memory_space<vmem>> -> memref<16xi32, #tpu.memory_space<vmem>>
        %dma_start3A_684 = arith.constant 0 : i32
        %dma_start3A_685 = arith.constant 0 : i32
        %dma_start3A_686 = tpu.memref_slice %arg12[%dma_start3A_684, %dma_start3A_685] : memref<128x128xf32, #tpu.memory_space<vmem_shared>> -> memref<128x128xf32, #tpu.memory_space<vmem_shared>>
        tpu.enqueue_indirect_dma source(%dma_start3A_680 : memref<16x128xf32, #tpu.memory_space<vmem>>) target(%dma_start3A_686 : memref<128x128xf32, #tpu.memory_space<vmem_shared>>) offsets(%dma_start3A_683 : memref<16xi32, #tpu.memory_space<vmem>>) semaphore(%run_scoped3A_677 : memref<!tpu.dma_semaphore, #tpu.memory_space<semaphore_mem>>) {add = true}
        %dma_wait3A_687 = arith.constant 0 : i32
        %dma_wait3A_688 = arith.constant 0 : i32
        %dma_wait3A_689 = tpu.memref_slice %arg9[%dma_wait3A_687, %dma_wait3A_688] : memref<16x128xf32, #tpu.memory_space<vmem>> -> memref<16x128xf32, #tpu.memory_space<vmem>>
        %dma_wait3A_690 = arith.constant 0 : i32
        %dma_wait3A_691 = tpu.memref_slice %arg10[%run_scoped3A, %dma_wait3A_690] : memref<1x16xi32, #tpu.memory_space<vmem>> -> memref<1x16xi32, #tpu.memory_space<vmem>>
        %dma_wait3A_692 = tpu.memref_squeeze %dma_wait3A_691 : memref<1x16xi32, #tpu.memory_space<vmem>> -> memref<16xi32, #tpu.memory_space<vmem>>
        %dma_wait3A_693 = arith.constant 0 : i32
        %dma_wait3A_694 = arith.constant 0 : i32
        %dma_wait3A_695 = tpu.memref_slice %arg12[%dma_wait3A_693, %dma_wait3A_694] : memref<128x128xf32, #tpu.memory_space<vmem_shared>> -> memref<128x128xf32, #tpu.memory_space<vmem_shared>>
        tpu.wait_indirect_dma semaphore(%run_scoped3A_677 : memref<!tpu.dma_semaphore, #tpu.memory_space<semaphore_mem>>) src(%dma_wait3A_689 : memref<16x128xf32, #tpu.memory_space<vmem>>) dst(%dma_wait3A_695 : memref<128x128xf32, #tpu.memory_space<vmem_shared>>)
        tpu.yield
      }) : () -> ()
    } else {
    }
    %dma_wait3A_610 = arith.constant 0 : i32
    %dma_wait3A_611 = arith.constant 0 : i32
    %dma_wait3A_612 = arith.constant 0 : i32
    %dma_wait3A_613 = tpu.memref_slice %arg5[%dma_wait3A_611, %dma_wait3A_612] : memref<312x128xf32, #tpu.memory_space<vmem>> -> memref<16x128xf32, #tpu.memory_space<vmem>>
    %dma_wait3A_614 = arith.constant 0 : i32
    %dma_wait3A_615 = tpu.memref_slice %arg6[%dma_wait3A_610, %dma_wait3A_614] : memref<1x16xi32, #tpu.memory_space<vmem>> -> memref<1x16xi32, #tpu.memory_space<vmem>>
    %dma_wait3A_616 = tpu.memref_squeeze %dma_wait3A_615 : memref<1x16xi32, #tpu.memory_space<vmem>> -> memref<16xi32, #tpu.memory_space<vmem>>
    %dma_wait3A_617 = arith.constant 0 : i32
    %dma_wait3A_618 = arith.constant 0 : i32
    %dma_wait3A_619 = tpu.memref_slice %arg12[%dma_wait3A_617, %dma_wait3A_618] : memref<128x128xf32, #tpu.memory_space<vmem_shared>> -> memref<128x128xf32, #tpu.memory_space<vmem_shared>>
    tpu.wait_indirect_dma semaphore(%arg18 : memref<!tpu.dma_semaphore, #tpu.memory_space<semaphore_mem>>) src(%dma_wait3A_613 : memref<16x128xf32, #tpu.memory_space<vmem>>) dst(%dma_wait3A_619 : memref<128x128xf32, #tpu.memory_space<vmem_shared>>)
    %dma_wait3A_620 = arith.constant 0 : i32
    %dma_wait3A_621 = arith.constant 16 : i32
    %dma_wait3A_622 = arith.constant 0 : i32
    %dma_wait3A_623 = tpu.memref_slice %arg5[%dma_wait3A_621, %dma_wait3A_622] : memref<312x128xf32, #tpu.memory_space<vmem>> -> memref<88x128xf32, #tpu.memory_space<vmem>>
    %dma_wait3A_624 = arith.constant 0 : i32
    %dma_wait3A_625 = tpu.memref_slice %arg7[%dma_wait3A_620, %dma_wait3A_624] : memref<1x88xi32, #tpu.memory_space<vmem>> -> memref<1x88xi32, #tpu.memory_space<vmem>>
    %dma_wait3A_626 = tpu.memref_squeeze %dma_wait3A_625 : memref<1x88xi32, #tpu.memory_space<vmem>> -> memref<88xi32, #tpu.memory_space<vmem>>
    %dma_wait3A_627 = arith.constant 0 : i32
    %dma_wait3A_628 = arith.constant 0 : i32
    %dma_wait3A_629 = tpu.memref_slice %arg12[%dma_wait3A_627, %dma_wait3A_628] : memref<128x128xf32, #tpu.memory_space<vmem_shared>> -> memref<128x128xf32, #tpu.memory_space<vmem_shared>>
    tpu.wait_indirect_dma semaphore(%arg18 : memref<!tpu.dma_semaphore, #tpu.memory_space<semaphore_mem>>) src(%dma_wait3A_623 : memref<88x128xf32, #tpu.memory_space<vmem>>) dst(%dma_wait3A_629 : memref<128x128xf32, #tpu.memory_space<vmem_shared>>)
    %dma_wait3A_630 = arith.constant 0 : i32
    %dma_wait3A_631 = arith.constant 104 : i32
    %dma_wait3A_632 = arith.constant 0 : i32
    %dma_wait3A_633 = tpu.memref_slice %arg5[%dma_wait3A_631, %dma_wait3A_632] : memref<312x128xf32, #tpu.memory_space<vmem>> -> memref<104x128xf32, #tpu.memory_space<vmem>>
    %dma_wait3A_634 = arith.constant 0 : i32
    %dma_wait3A_635 = tpu.memref_slice %arg8[%dma_wait3A_630, %dma_wait3A_634] : memref<2x104xi32, #tpu.memory_space<vmem>> -> memref<1x104xi32, #tpu.memory_space<vmem>>
    %dma_wait3A_636 = tpu.memref_squeeze %dma_wait3A_635 : memref<1x104xi32, #tpu.memory_space<vmem>> -> memref<104xi32, #tpu.memory_space<vmem>>
    %dma_wait3A_637 = arith.constant 0 : i32
    %dma_wait3A_638 = arith.constant 0 : i32
    %dma_wait3A_639 = tpu.memref_slice %arg12[%dma_wait3A_637, %dma_wait3A_638] : memref<128x128xf32, #tpu.memory_space<vmem_shared>> -> memref<128x128xf32, #tpu.memory_space<vmem_shared>>
    tpu.wait_indirect_dma semaphore(%arg18 : memref<!tpu.dma_semaphore, #tpu.memory_space<semaphore_mem>>) src(%dma_wait3A_633 : memref<104x128xf32, #tpu.memory_space<vmem>>) dst(%dma_wait3A_639 : memref<128x128xf32, #tpu.memory_space<vmem_shared>>)
    %dma_wait3A_640 = arith.constant 1 : i32
    %dma_wait3A_641 = arith.constant 208 : i32
    %dma_wait3A_642 = arith.constant 0 : i32
    %dma_wait3A_643 = tpu.memref_slice %arg5[%dma_wait3A_641, %dma_wait3A_642] : memref<312x128xf32, #tpu.memory_space<vmem>> -> memref<104x128xf32, #tpu.memory_space<vmem>>
    %dma_wait3A_644 = arith.constant 0 : i32
    %dma_wait3A_645 = tpu.memref_slice %arg8[%dma_wait3A_640, %dma_wait3A_644] : memref<2x104xi32, #tpu.memory_space<vmem>> -> memref<1x104xi32, #tpu.memory_space<vmem>>
    %dma_wait3A_646 = tpu.memref_squeeze %dma_wait3A_645 : memref<1x104xi32, #tpu.memory_space<vmem>> -> memref<104xi32, #tpu.memory_space<vmem>>
    %dma_wait3A_647 = arith.constant 0 : i32
    %dma_wait3A_648 = arith.constant 0 : i32
    %dma_wait3A_649 = tpu.memref_slice %arg12[%dma_wait3A_647, %dma_wait3A_648] : memref<128x128xf32, #tpu.memory_space<vmem_shared>> -> memref<128x128xf32, #tpu.memory_space<vmem_shared>>
    tpu.wait_indirect_dma semaphore(%arg18 : memref<!tpu.dma_semaphore, #tpu.memory_space<semaphore_mem>>) src(%dma_wait3A_643 : memref<104x128xf32, #tpu.memory_space<vmem>>) dst(%dma_wait3A_649 : memref<128x128xf32, #tpu.memory_space<vmem_shared>>)
    %barrier3A_650 = arith.constant 0 : index
    tpu.barrier barrier_id(%barrier3A_650)
    %mul3A_651 = arith.constant 128 : i32
    %mul3A_652 = arith.muli %arg0, %mul3A_651 : i32
    %add3A_653 = arith.addi %mul3A_652, %mul3A_431 : i32
    "tpu.region"() ({
      %run_scoped3A = tpu.sem_alloc : memref<!tpu.dma_semaphore, #tpu.memory_space<semaphore_mem>>
      %dma_start3A_654 = arith.constant 0 : i32
      %dma_start3A_655 = tpu.memref_slice %arg4[%add3A_653, %dma_start3A_654] : memref<256x128xf32, #tpu.memory_space<hbm>> -> memref<8x128xf32, #tpu.memory_space<hbm>>
      %dma_start3A_656 = arith.constant 0 : i32
      %dma_start3A_657 = tpu.memref_slice %arg12[%mul3A_431, %dma_start3A_656] : memref<128x128xf32, #tpu.memory_space<vmem_shared>> -> memref<8x128xf32, #tpu.memory_space<vmem_shared>>
      tpu.enqueue_dma source(%dma_start3A_657 : memref<8x128xf32, #tpu.memory_space<vmem_shared>>) target(%dma_start3A_655 : memref<8x128xf32, #tpu.memory_space<hbm>>) target_semaphore(%run_scoped3A : memref<!tpu.dma_semaphore, #tpu.memory_space<semaphore_mem>>)
      %dma_wait3A_658 = arith.constant 0 : i32
      %dma_wait3A_659 = tpu.memref_slice %arg4[%add3A_653, %dma_wait3A_658] : memref<256x128xf32, #tpu.memory_space<hbm>> -> memref<8x128xf32, #tpu.memory_space<hbm>>
      %dma_wait3A_660 = arith.constant 0 : i32
      %dma_wait3A_661 = tpu.memref_slice %arg12[%mul3A_431, %dma_wait3A_660] : memref<128x128xf32, #tpu.memory_space<vmem_shared>> -> memref<8x128xf32, #tpu.memory_space<vmem_shared>>
      tpu.wait_dma2 semaphore(%run_scoped3A : memref<!tpu.dma_semaphore, #tpu.memory_space<semaphore_mem>>) src(%dma_wait3A_661 : memref<8x128xf32, #tpu.memory_space<vmem_shared>>) dst(%dma_wait3A_659 : memref<8x128xf32, #tpu.memory_space<hbm>>)
      tpu.yield
    }) : () -> ()
    return
  }
}

module attributes {stable_mosaic.version = 14 : i64} {
  func.func @body(%arg0: memref<79x128xi32, #tpu.memory_space<vmem>>, %arg1: memref<128x1xf32, #tpu.memory_space<vmem>>) attributes {dimension_semantics = [], scalar_prefetch = 0 : i64, scratch_operands = 0 : i64, tpu.core_type = #tpu.core_type<tc>} {
    %iota3A = tpu.iota {dimensions = array<i32: 0>} : vector<128x128xi32>
    %broadcast_in_dim3A = arith.constant 0.000000e+00 : f32
    %broadcast_in_dim3A_0 = vector.broadcast %broadcast_in_dim3A : f32 to vector<128x128xf32>
    %scan3A = arith.constant 0 : i32
    %scan3A_1 = arith.constant 79 : i32
    %scan3A_2 = arith.addi %scan3A, %scan3A_1 : i32
    %scan3A_3 = arith.constant 1 : i32
    %scan3A_4 = scf.for %scan3A_10 = %scan3A to %scan3A_2 step %scan3A_3 iter_args(%scan3A_11 = %broadcast_in_dim3A_0) -> (vector<128x128xf32>)  : i32 {
      %get3A = arith.index_cast %scan3A_10 : i32 to index
      %get3A_12 = arith.constant 0 : index
      %get3A_13 = vector.load %arg0[%get3A, %get3A_12] : memref<79x128xi32, #tpu.memory_space<vmem>>, vector<1x128xi32>
      %eq3A = vector.broadcast %get3A_13 : vector<1x128xi32> to vector<128x128xi32>
      %eq3A_14 = arith.cmpi eq, %eq3A, %iota3A : vector<128x128xi32>
      %convert_element_type3A = arith.extui %eq3A_14 : vector<128x128xi1> to vector<128x128xi32>
      %convert_element_type3A_15 = arith.sitofp %convert_element_type3A : vector<128x128xi32> to vector<128x128xf32>
      %add3A = arith.addf %scan3A_11, %convert_element_type3A_15 : vector<128x128xf32>
      scf.yield %add3A : vector<128x128xf32>
    }
    %scan3A_5 = arith.constant 79 : i32
    %reduce_sum3A = arith.constant dense<0.000000e+00> : vector<128xf32>
    %reduce_sum3A_6 = vector.multi_reduction <add>, %scan3A_4, %reduce_sum3A [1] : vector<128x128xf32> to vector<128xf32>
    %broadcast_in_dim3A_7 = vector.shape_cast %reduce_sum3A_6 : vector<128xf32> to vector<128x1xf32>
    %swap3A = arith.constant 0 : index
    %swap3A_8 = arith.constant 0 : index
    %swap3A_9 = vector.load %arg1[%swap3A, %swap3A_8] : memref<128x1xf32, #tpu.memory_space<vmem>>, vector<128x1xf32>
    tpu.vector_store %arg1[%swap3A, %swap3A_8], %broadcast_in_dim3A_7 {strides = array<i32>} : memref<128x1xf32, #tpu.memory_space<vmem>>, vector<128x1xf32>,
    return
  }
}

module attributes {stable_mosaic.version = 14 : i64} {
  func.func @body(%arg0: memref<256x128xf32, #tpu.memory_space<vmem>>, %arg1: memref<128x1xf32, #tpu.memory_space<vmem>>, %arg2: memref<128x128xf32, #tpu.memory_space<vmem>>, %arg3: memref<128x256xf32, #tpu.memory_space<vmem>>, %arg4: memref<1x128xf32, #tpu.memory_space<vmem>>, %arg5: memref<128x128xf32, #tpu.memory_space<vmem>>) attributes {dimension_semantics = [], scalar_prefetch = 0 : i64, scratch_operands = 0 : i64, tpu.core_type = #tpu.core_type<tc>} {
    %get3A = arith.constant 0 : index
    %get3A_0 = arith.constant 0 : index
    %get3A_1 = vector.load %arg0[%get3A, %get3A_0] : memref<256x128xf32, #tpu.memory_space<vmem>>, vector<128x128xf32>
    %get3A_2 = arith.constant 128 : index
    %get3A_3 = arith.constant 0 : index
    %get3A_4 = vector.load %arg0[%get3A_2, %get3A_3] : memref<256x128xf32, #tpu.memory_space<vmem>>, vector<128x128xf32>
    %add3A = arith.addf %get3A_1, %get3A_4 : vector<128x128xf32>
    %get3A_5 = arith.constant 0 : index
    %get3A_6 = arith.constant 0 : index
    %get3A_7 = vector.load %arg1[%get3A_5, %get3A_6] : memref<128x1xf32, #tpu.memory_space<vmem>>, vector<128x1xf32>
    %max3A = arith.constant 1.000000e+00 : f32
    %max3A_8 = vector.broadcast %max3A : f32 to vector<128x1xf32>
    %max3A_9 = arith.maximumf %get3A_7, %max3A_8 : vector<128x1xf32>
    %div3A = vector.broadcast %max3A_9 : vector<128x1xf32> to vector<128x128xf32>
    %div3A_10 = arith.divf %add3A, %div3A : vector<128x128xf32>
    %get3A_11 = arith.constant 0 : index
    %get3A_12 = arith.constant 0 : index
    %get3A_13 = vector.load %arg2[%get3A_11, %get3A_12] : memref<128x128xf32, #tpu.memory_space<vmem>>, vector<128x128xf32>
    %get3A_14 = arith.constant 0 : index
    %get3A_15 = arith.constant 0 : index
    %get3A_16 = vector.load %arg3[%get3A_14, %get3A_15] : memref<128x256xf32, #tpu.memory_space<vmem>>, vector<128x128xf32>
    %dot_general3A = arith.constant dense<0.000000e+00> : vector<128x128xf32>
    %dot_general3A_17 = tpu.matmul %get3A_13, %get3A_16, %dot_general3A {dimension_numbers = #tpu.dot_dimension_numbers<[1], [1], [0], [0], [0, 0, 1, 0], [], []>, transpose_lhs_hint = false} : vector<128x128xf32>, vector<128x128xf32>, vector<128x128xf32> -> vector<128x128xf32>
    %get3A_18 = arith.constant 0 : index
    %get3A_19 = arith.constant 128 : index
    %get3A_20 = vector.load %arg3[%get3A_18, %get3A_19] : memref<128x256xf32, #tpu.memory_space<vmem>>, vector<128x128xf32>
    %dot_general3A_21 = arith.constant dense<0.000000e+00> : vector<128x128xf32>
    %dot_general3A_22 = tpu.matmul %div3A_10, %get3A_20, %dot_general3A_21 {dimension_numbers = #tpu.dot_dimension_numbers<[1], [1], [0], [0], [0, 0, 1, 0], [], []>, transpose_lhs_hint = false} : vector<128x128xf32>, vector<128x128xf32>, vector<128x128xf32> -> vector<128x128xf32>
    %add3A_23 = arith.addf %dot_general3A_17, %dot_general3A_22 : vector<128x128xf32>
    %get3A_24 = arith.constant 0 : index
    %get3A_25 = arith.constant 0 : index
    %get3A_26 = vector.load %arg4[%get3A_24, %get3A_25] : memref<1x128xf32, #tpu.memory_space<vmem>>, vector<1x128xf32>
    %add3A_27 = vector.broadcast %get3A_26 : vector<1x128xf32> to vector<128x128xf32>
    %add3A_28 = arith.addf %add3A_23, %add3A_27 : vector<128x128xf32>
    %max3A_29 = arith.constant 0.000000e+00 : f32
    %max3A_30 = vector.broadcast %max3A_29 : f32 to vector<128x128xf32>
    %max3A_31 = arith.maximumf %add3A_28, %max3A_30 : vector<128x128xf32>
    %swap3A = arith.constant 0 : index
    %swap3A_32 = arith.constant 0 : index
    %swap3A_33 = vector.load %arg5[%swap3A, %swap3A_32] : memref<128x128xf32, #tpu.memory_space<vmem>>, vector<128x128xf32>
    tpu.vector_store %arg5[%swap3A, %swap3A_32], %max3A_31 {strides = array<i32>} : memref<128x128xf32, #tpu.memory_space<vmem>>, vector<128x128xf32>,
    return
  }
}

</mosaic_0001>

<sc_bundles>
// kernel: kernel.5.cloned.1.call-start
scs
__scs_entry_jumppad:
0x0: {  	(pc) =	sbr.rel $0x88, $3  }
0x1: {  	(tag) =	ssettag $0x0;
	lr =	simm.s32 $0x1  }
0x2: {  	[smem:$0x3F9C] =	sst lr;
	_ =	strace $0xD0000000  }
0x3: {  	_ = 	snop  }
0x4: {  	_ = 	snop  }
0x5: {  	_ = 	snop  }
0x6: {  	_ = 	snop  }
0x7: {  	_ = 	snop  }
__scs_overlays_trampoline_lowered:
0x8: {  	[smem:$0x3FAB] =	sst s0  }
0x9: {  	[smem:$0x3FAC] =	sst s1  }
0xa: {  	[smem:$0x3FAD] =	sst s2  }
0xb: {  	[smem:$0x3FAE] =	sst s3  }
0xc: {  	[smem:$0x3FAF] =	sst s4  }
0xd: {  	[smem:$0x3FB0] =	sst s5  }
0xe: {  	[smem:$0x3FB1] =	sst s6  }
0xf: {  	[smem:$0x3FB2] =	sst s7  }
0x10: {  	[smem:$0x3FB3] =	sst s8  }
0x11: {  	[smem:$0x3FB4] =	sst s9;
	s0 =	simm.s32 @!p0 $0x0  }
0x12: {  	s1 =	sld [smem:$0x3F9A];
	s0 =	simm.s32 @p0 $0x1  }
0x13: {  	[smem:$0x3FB5] =	sst s0;
	s0 =	simm.s32 @!p1 $0x0  }
0x14: {  	s2 =	sld [smem:$0x3F99];
	s0 =	simm.s32 @p1 $0x1  }
0x15: {  	[smem:$0x3FB6] =	sst s0;
	s0 =	simm.s32 @!p2 $0x0  }
0x16: {  	s3 =	sld [smem:$0x3FDB];
	s0 =	simm.s32 @p2 $0x1  }
0x17: {  	s4 =	simm.s32 $0x1BF5;
	[smem:$0x3FB8] =	sst s0  }
0x18: {  	s0 =	sld [smem:$0x3F9B];
	_ =	swait.ge [sflag:s4], $0x0  }
0x19: {  	s7 =	sld [smem:$0x3F9C]  }
0x1a: {  	s8 =	sadd.s32 $0xFFFFE003, lr  }
0x1b: {  	s9 =	sadd.s32 $0xFFFFFEF7, lr;
	s5 =	simm.s32 $0xFFFFFFFF;
	p2 =	slt.u32 s8, $0xFFFFF086  }
0x1c: {  	p1 =	slt.u32 s9, $0xF7A;
	s5 =	simm.s32 @!p2 $0x0  }
0x1d: {  	s5 =	simm.s32 @p1 $0x1;
	p0 =	seq.s32 s7, s2  }
0x1e: {  	s7 =	smul.u32 @!p0 $0xF7A, s2;
	p2 =	seq.s32 @!p0 s5, $0x0  }
0x1f: {  	s9 =	smul.u32 $0xF7A, s1;
	s8 =	simm.s32 @!p0 $0x1BF5;
	p2 =	por !p2, p0  }
0x20: {  	[sflag:s8] =	ssyncset.s32 @!p0 $0xFFFFF086;
	s6 =	sadd.s32 @!p0 s3, s7;
	s7 =	simm.s32 @!p0 $0x108  }
0x21: {  	s3 =	sadd.s32 s3, s9;
	s6 =	sadd.s32 @!p0 $0x88, s6;
	s7 =	simm.s32 @p2 $0x1082  }
0x22: {  	[simem:s7], [sflag:s8] =	dma.local @!p0 [hbm:s6], $0xF7A  }
0x23: {  	s9 =	sor.u32 $0xD0000000, s2;
	s6 =	simm.s32 $0x108;
	_ =	swait.ge @!p0 [sflag:s8], $0x0  }
0x24: {  	s3 =	sadd.s32 $0x88, s3;
	s6 =	simm.s32 @!p1 $0x1082;
	[sflag:s4] =	ssyncset.s32 $0xFFFFF086  }
0x25: {  	[simem:s6], [sflag:s4] =	dma.local [hbm:s3], $0xF7A  }
0x26: {  	[smem:$0x3F9C] =	sst s1;
	(tag) =	ssettag s2;
	_ =	strace s9  }
0x27: {  	s1 =	sld [smem:$0x3FAC]  }
0x28: {  	s2 =	sld [smem:$0x3FAD]  }
0x29: {  	s4 =	sld [smem:$0x3FAF]  }
0x2a: {  	p0 =	seq.s32 s5, $0x0;
	s5 =	sld [smem:$0x3FB0]  }
0x2b: {  	s6 =	sld [smem:$0x3FB1]  }
0x2c: {  	s7 =	sld [smem:$0x3FB2]  }
0x2d: {  	s3 =	simm.s32 $0x108;
	s8 =	sld [smem:$0x3FB3]  }
0x2e: {  	s3 =	simm.s32 @!p0 $0x1082;
	s9 =	sld [smem:$0x3FB4]  }
0x2f: {  	lr =	sadd.s32 s0, s3;
	s0 =	sld [smem:$0x3FAB]  }
0x30: {  	s3 =	sld [smem:$0x3FAE]  }
0x31: {  	[smem:$0x3FB7] =	sst s10  }
0x32: {  	s10 =	sld [smem:$0x3FB5];
	_ =	sdelay $0x3  }
0x33: {  	p0 =	seq.s32 s10, $0x1;
	s10 =	sld [smem:$0x3FB7];
	_ =	sdelay $0x3  }
0x34: {  	[smem:$0x3FB7] =	sst s10  }
0x35: {  	s10 =	sld [smem:$0x3FB6];
	_ =	sdelay $0x3  }
0x36: {  	p1 =	seq.s32 s10, $0x1;
	s10 =	sld [smem:$0x3FB7];
	_ =	sdelay $0x3  }
0x37: {  	[smem:$0x3FB7] =	sst s10  }
0x38: {  	s10 =	sld [smem:$0x3FB8]  }
0x39: {  	_ = 	snop;
	(pc) =	sbr.ind lr, $3  }
0x3a: {  	_ = 	snop  }
0x3b: {  	_ = 	snop  }
0x3c: {  	p2 =	seq.s32 s10, $0x1;
	s10 =	sld [smem:$0x3FB7]  }
0x3d: {  	_ =	shalt  }
0x3e: {  	_ =	shalt  }
0x3f: {  	_ =	shalt  }
0x40: {  	_ =	shalt  }
0x41: {  	_ =	shalt  }
0x42: {  	_ =	shalt  }
0x43: {  	_ =	shalt  }
0x44: {  	_ =	shalt  }
0x45: {  	_ =	shalt  }
0x46: {  	_ =	shalt  }
0x47: {  	_ =	shalt  }
0x48: {  	_ =	shalt  }
0x49: {  	_ =	shalt  }
0x4a: {  	_ =	shalt  }
0x4b: {  	_ =	shalt  }
0x4c: {  	_ =	shalt  }
0x4d: {  	_ =	shalt  }
0x4e: {  	_ =	shalt  }
0x4f: {  	_ =	shalt  }
0x50: {  	_ =	shalt  }
0x51: {  	_ =	shalt  }
0x52: {  	_ =	shalt  }
0x53: {  	_ =	shalt  }
0x54: {  	_ =	shalt  }
0x55: {  	_ =	shalt  }
0x56: {  	_ =	shalt  }
0x57: {  	_ =	shalt  }
0x58: {  	_ =	shalt  }
0x59: {  	_ =	shalt  }
0x5a: {  	_ =	shalt  }
0x5b: {  	_ =	shalt  }
0x5c: {  	_ =	shalt  }
0x5d: {  	_ =	shalt  }
0x5e: {  	_ =	shalt  }
0x5f: {  	_ =	shalt  }
0x60: {  	_ =	shalt  }
0x61: {  	_ =	shalt  }
0x62: {  	_ =	shalt  }
0x63: {  	_ =	shalt  }
0x64: {  	_ =	shalt  }
0x65: {  	_ =	shalt  }
0x66: {  	_ =	shalt  }
0x67: {  	_ =	shalt  }
0x68: {  	_ =	shalt  }
0x69: {  	_ =	shalt  }
0x6a: {  	_ =	shalt  }
0x6b: {  	_ =	shalt  }
0x6c: {  	_ =	shalt  }
0x6d: {  	_ =	shalt  }
0x6e: {  	_ =	shalt  }
0x6f: {  	_ =	shalt  }
0x70: {  	_ =	shalt  }
0x71: {  	_ =	shalt  }
0x72: {  	_ =	shalt  }
0x73: {  	_ =	shalt  }
0x74: {  	_ =	shalt  }
0x75: {  	_ =	shalt  }
0x76: {  	_ =	shalt  }
0x77: {  	_ =	shalt  }
0x78: {  	_ =	shalt  }
0x79: {  	_ =	shalt  }
0x7a: {  	_ =	shalt  }
0x7b: {  	_ =	shalt  }
0x7c: {  	_ =	shalt  }
0x7d: {  	_ =	shalt  }
0x7e: {  	_ =	shalt  }
0x7f: {  	_ =	shalt  }
0x80: {  	_ =	shalt  }
0x81: {  	_ =	shalt  }
0x82: {  	_ =	shalt  }
0x83: {  	_ =	shalt  }
0x84: {  	_ =	shalt  }
0x85: {  	_ =	shalt  }
0x86: {  	_ =	shalt  }
0x87: {  	_ =	shalt  }
.Lfunc_end0:
.L_simem_size_0:
called_computation_lowered:
.L_overlay_start_0:
0x88: {  	s2 =	sld [smem:$0x3FD9]  }
0x89: {  	s3 =	sld [smem:$0x3FFE];
	_ =	sdelay $0x1  }
0x8a: {  	s1 =	srdreg.scid  }
0x8b: {  	s0 =	sand.u32 $0x1, s1  }
0x8c: {  	s17 =	sshll.u32 s0, $0xA;
	s2 =	sadd.s32 s3, s2  }
0x8d: {  	s2 =	sadd.s32 s2, s17  }
0x8e: {  	[smem:$0x3FC3] =	sst s2  }
0x8f: {  	_ = 	snop  }
0x90: {  	s2 =	sld [smem:$0x3FC9]  }
0x91: {  	s18 =	sld [smem:$0x3FC7];
	(tm) =	ssettm $0x1  }
0x92: {  	s4 =	sld [smem:$0x3FFB];
	_ =	sdelay $0x3  }
0x93: {  	_ =	strace s4  }
0x94: {  	s4 =	sld [smem:$0x3FFC];
	_ =	sdelay $0x3  }
0x95: {  	_ =	strace s4  }
0x96: {  	s4 =	sld [smem:$0x3FFD];
	_ =	sdelay $0x3  }
0x97: {  	_ =	strace s4  }
0x98: {  	_ =	strace $0x8FFFFFFF  }
0x99: {  	s19 =	sld [smem:$0x3FDB];
	_ =	sdelay $0x1  }
0x9a: {  	s5 =	simm.s32 $_scs_section_size  }
0x9b: {  	s6 =	simm.s32 $_size__tile_overlayer_lowered;
	s7 =	simm.s32 $_tile_overlayer_lowered  }
0x9c: {  	s22 =	simm.s32 $0x1BFF;
	s21 =	sshll.u32 s7, $0x1;
	s4 =	sadd.s32 s5, s19  }
0x9d: {  	s8 =	simm.s32 $0x0;
	s20 =	sshll.u32 s6, $0x1;
	s6 =	sadd.s32 s21, s4  }
0x9e: {  	[timem:s8], [sflag:s22] =	dma.local [hbm:s6], s20  }
0x9f: {  	_ =	swait.ge [sflag:s22], s20  }
0xa0: {  	s5 =	ssub.s32 $0x0, s20;
	[sflag:s22] =	ssyncset.done $0x0  }
0xa1: {  	[sflag:s22] =	ssyncadd.s32 s5;
	_ =	sdelay $0x1  }
0xa2: {  	s23 =	simm.s32 $0x1B8B  }
0xa3: {  	_ =	swait.ge [sflag:s23], $0x1  }
0xa4: {  	[sflag:s23] =	ssyncset.done $0x0  }
0xa5: {  	s25 =	simm.s32 $0x1B8E;
	s24 =	sld [smem:$0x3FFE];
	[sflag:s23] =	ssyncadd.s32 $0xFFFFFFFF  }
0xa6: {  	s26 =	simm.s32 $execute0_lowered;
	[smem:$0x3FD2] =	sst s25  }
0xa7: {  	s6 =	sshll.u32 s26, $0x1;
	_ =	strace $0x80000046;
	[dreg:$0x1] =	wrdreg $0xFFFFFFFF  }
0xa8: {  	s28 =	simm.s32 $_size_execute0_lowered;
	s4 =	sadd.s32 s4, s6;
	[dreg:$0x0] =	wrdreg $0x0  }
0xa9: {  	s6 =	sshll.u32 s28, $0x1;
	[dreg:$0x2] =	wrdreg s4  }
0xaa: {  	[dreg:$0x3] =	wrdreg s6  }
0xab: {  	[dreg:$0x4] =	wrdreg $0xC0  }
0xac: {  	_ =	task [dreg:s8], $0x5FFFF  }
0xad: {  	[dreg:$0x1] =	wrdreg $0xFFFFFFFF  }
0xae: {  	[dreg:$0x0] =	wrdreg $0x60  }
0xaf: {  	[dreg:$0x2] =	wrdreg s2  }
0xb0: {  	[dreg:$0x3] =	wrdreg s18  }
0xb1: {  	[dreg:$0x4] =	wrdreg s24  }
0xb2: {  	[dreg:$0x5] =	wrdreg $0xAA800  }
0xb3: {  	[dreg:$0x6] =	wrdreg $0x9  }
0xb4: {  	_ =	task.clear_ibuf [dreg:s8], $0x7FFFF;
	_ =	strace $0x90000046  }
0xb5: {  	s29 =	simm.s32 $0x9;
	_ =	strace $0x80000048  }
0xb6: {  	_ =	swait.ge [sflag:s29], $0x1  }
0xb7: {  	[sflag:s29] =	ssyncadd.s32 $0xFFFFFFFF  }
0xb8: {  	_ =	strace $0x90000048  }
0xb9: {  	_ =	sfence  }
0xba: {  	s30 =	sld [smem:$0x0];
	_ =	sdelay $0x2  }
0xbb: {  	s31 =	sshll.u32 s1, $0xD;
	s1 =	sshrl.u32 s1, $0x2  }
0xbc: {  	s3 =	sand.u32 $0x4000, s31;
	s1 =	sadd.s32 s1, s30  }
0xbd: {  	s0 =	sor.u32 s3, s0;
	s1 =	sshll.u32 s1, $0x11  }
0xbe: {  	s0 =	sor.u32 s1, s0  }
0xbf: {  	s0 =	sadd.s32 $0x8F2B, s0  }
0xc0: {  	[sflag:s0] =	ssyncadd.remote.s32 $0x1  }
0xc1: {  	_ =	sfence.sel $0xFFFF  }
0xc2: {  	[dreg:$0x0] =	wrdreg $0xFFFFFFFF;
	(pc) =	sbr.abs _section_cstart, $3  }
0xc3: {  	[dreg:$0x1] =	wrdreg $0xFFFFFFFF  }
0xc4: {  	_ =	task.clear_ibuf [dreg:s8], $0x2FFFF;
	_ =	strace $0x9FFFFFFF  }
0xc5: {  	(tm) =	ssettm $0x7FFFFFFF  }
tec
execute0_lowered:
.L_overlay_start_1:
0x0: {  	(tag) =	ssettag $0x1  }
0x1: {  	s4 =	rddreg [dreg:$0x0]  }
0x2: {  	s5 =	rddreg [dreg:$0x1]  }
0x3: {  	s6 =	rddreg [dreg:$0x2]  }
0x4: {  	s0 =	stileid.u32;
	s1 =	srdreg.scid  }
0x5: {  	s2 =	rddreg [dreg:$0x3];
	s3 =	simm.s32 $0x0;
	s31 =	simm.s32 $0xA680  }
0x6: {  	s16 =	simm.s32 $0x10;
	s7 =	sand.u32 $0x1, s1;
	s1 =	rddreg [dreg:$0x4]  }
0x7: {  	s8 =	sshll.u32 s0, $0x1;
	[smem:$0x7FF] =	sst s3;
	s10 =	sshll.u32 s0, $0x7  }
0x8: {  	s29 =	sshll.u32 s0, $0xA;
	s8 =	sor.u32 s7, s8;
	_ =	strace $0x80000047  }
0x9: {  	s6 =	sadd.s32 s10, s6;
	s15 =	ssub.s32 $0x2, s7;
	s9 =	smul.u32 $0x138, s8  }
0xa: {  	s7 =	sshll.u32 s7, $0xB;
	[dreg:$0x10] =	wrdreg s31;
	s14 =	smul.u32 $0x1380, s8  }
0xb: {  	s26 =	sshrl.u32 s15, $0x1;
	s28 =	sadd.s32 s7, s6;
	p0 =	sne.s32 s8, $0x0  }
0xc: {  	s6 =	simm.s32 $0x9C00;
	s7 =	simm.s32 $0x9C80;
	s8 =	simm.s32 $0x9D00  }
0xd: {  	s30 =	ssub.s32 s15, s26;
	s15 =	simm.s32 $0x1;
	s11 =	sshrl.u32 s9, $0x3  }
0xe: {  	s12 =	sadd.s32 $0x10, s9;
	s20 =	sadd.s32 $0x68, s9;
	s9 =	sadd.s32 $0xD0, s9  }
0xf: {  	s23 =	sadd.s32 s4, s14;
	s14 =	simm.s32 $0x6;
	s17 =	sadd.s32 s5, s11  }
0x10: {  	s18 =	sshrl.u32 s12, $0x3;
	s21 =	sshrl.u32 s20, $0x3;
	s13 =	sshrl.u32 s9, $0x3  }
0x11: {  	s12 =	sshll.u32 s12, $0x4;
	[dreg:$0x9] =	wrdreg s23;
	s11 =	sshll.u32 s20, $0x4  }
0x12: {  	s9 =	sshll.u32 s9, $0x4;
	[dreg:$0x5] =	wrdreg s17;
	s19 =	sadd.s32 s5, s18  }
0x13: {  	s20 =	simm.s32 $0x68;
	s10 =	sadd.s32 s5, s21;
	[dreg:$0x6] =	wrdreg s19  }
0x14: {  	s22 =	sadd.s32 s5, s13;
	s24 =	sadd.s32 s4, s12;
	[dreg:$0x7] =	wrdreg s10  }
0x15: {  	s25 =	sadd.s32 s4, s11;
	s9 =	sadd.s32 s4, s9;
	[dreg:$0x8] =	wrdreg s22  }
0x16: {  	s5 =	sadd.s32 $0x4E0, s5;
	s4 =	sadd.s32 $0x27000, s4;
	[dreg:$0xa] =	wrdreg s24  }
0x17: {  	s11 =	simm.s32 $0x3400;
	s12 =	simm.s32 $0x6800;
	[dreg:$0xb] =	wrdreg s25  }
0x18: {  	s13 =	simm.s32 $0x5;
	s17 =	simm.s32 $0x2;
	[dreg:$0xc] =	wrdreg s9  }
0x19: {  	s18 =	simm.s32 $0x58;
	s21 =	simm.s32 $0x4;
	[dreg:$0xd] =	wrdreg s5  }
0x1a: {  	[dreg:$0xe] =	wrdreg s4;
	s5 =	sadd.s32 $0xE00, s28;
	s4 =	sadd.s32 s29, s2  }
0x1b: {  	s9 =	simm.s32 $0x9D80;
	s10 =	simm.s32 $0x800;
	s19 =	simm.s32 $0x3  }
0x1c: {  	v0 =	vimm.f32 $0.0e+00;
	s22 =	simm.s32 $0x7;
	[dreg:$0xf] =	wrdreg s5;
	s5 =	smax.u32 s30, $0x1  }
.LBB2_1:
0x1d: {  	s23 =	rddreg [dreg:$0x5]  }
0x1e: {  	[tilespmem:s6], [sflag:$0x5] =	stream.linear.gather [hbm4b:s23+s3], $0x10, $0x38;
	[tilespmem:$0xAE80] =	vst v63  }
0x1f: {  	s24 =	rddreg [dreg:$0x6]  }
0x20: {  	[tilespmem:s7], [sflag:$0x5] =	stream.linear.gather [hbm4b:s24+s3], $0x58, $0x38;
	[tilespmem:$0xAE80] =	vst v63  }
0x21: {  	s28 =	rddreg [dreg:$0x7]  }
0x22: {  	[tilespmem:s8], [sflag:$0x5] =	stream.linear.gather [hbm4b:s28+s3], $0x68, $0x38;
	[tilespmem:$0xAE80] =	vst v63  }
0x23: {  	s29 =	rddreg [dreg:$0x8]  }
0x24: {  	[tilespmem:s9], [sflag:$0x5] =	stream.linear.gather [hbm4b:s29+s3], $0x68, $0x38;
	[tilespmem:$0xAE80] =	vst v63  }
0x25: {  	[tilespmem:$0xA680] =	vst v0  }
0x26: {  	[tilespmem:$0xA690] =	vst v0  }
0x27: {  	[tilespmem:$0xA6A0] =	vst v0  }
0x28: {  	[tilespmem:$0xA6B0] =	vst v0  }
0x29: {  	[tilespmem:$0xA6C0] =	vst v0  }
0x2a: {  	[tilespmem:$0xA6D0] =	vst v0  }
0x2b: {  	[tilespmem:$0xA6E0] =	vst v0  }
0x2c: {  	[tilespmem:$0xA6F0] =	vst v0  }
0x2d: {  	[tilespmem:$0xA700] =	vst v0  }
0x2e: {  	[tilespmem:$0xA710] =	vst v0  }
0x2f: {  	[tilespmem:$0xA720] =	vst v0  }
0x30: {  	[tilespmem:$0xA730] =	vst v0  }
0x31: {  	[tilespmem:$0xA740] =	vst v0  }
0x32: {  	[tilespmem:$0xA750] =	vst v0  }
0x33: {  	[tilespmem:$0xA760] =	vst v0  }
0x34: {  	[tilespmem:$0xA770] =	vst v0  }
0x35: {  	[tilespmem:$0xA780] =	vst v0  }
0x36: {  	[tilespmem:$0xA790] =	vst v0  }
0x37: {  	[tilespmem:$0xA7A0] =	vst v0  }
0x38: {  	[tilespmem:$0xA7B0] =	vst v0  }
0x39: {  	[tilespmem:$0xA7C0] =	vst v0  }
0x3a: {  	[tilespmem:$0xA7D0] =	vst v0  }
0x3b: {  	[tilespmem:$0xA7E0] =	vst v0  }
0x3c: {  	[tilespmem:$0xA7F0] =	vst v0  }
0x3d: {  	[tilespmem:$0xA800] =	vst v0  }
0x3e: {  	[tilespmem:$0xA810] =	vst v0  }
0x3f: {  	[tilespmem:$0xA820] =	vst v0  }
0x40: {  	[tilespmem:$0xA830] =	vst v0  }
0x41: {  	[tilespmem:$0xA840] =	vst v0  }
0x42: {  	[tilespmem:$0xA850] =	vst v0  }
0x43: {  	[tilespmem:$0xA860] =	vst v0  }
0x44: {  	[tilespmem:$0xA870] =	vst v0  }
0x45: {  	[tilespmem:$0xA880] =	vst v0  }
0x46: {  	[tilespmem:$0xA890] =	vst v0  }
0x47: {  	[tilespmem:$0xA8A0] =	vst v0  }
0x48: {  	[tilespmem:$0xA8B0] =	vst v0  }
0x49: {  	[tilespmem:$0xA8C0] =	vst v0  }
0x4a: {  	[tilespmem:$0xA8D0] =	vst v0  }
0x4b: {  	[tilespmem:$0xA8E0] =	vst v0  }
0x4c: {  	[tilespmem:$0xA8F0] =	vst v0  }
0x4d: {  	[tilespmem:$0xA900] =	vst v0  }
0x4e: {  	[tilespmem:$0xA910] =	vst v0  }
0x4f: {  	[tilespmem:$0xA920] =	vst v0  }
0x50: {  	[tilespmem:$0xA930] =	vst v0  }
0x51: {  	[tilespmem:$0xA940] =	vst v0  }
0x52: {  	[tilespmem:$0xA950] =	vst v0  }
0x53: {  	[tilespmem:$0xA960] =	vst v0  }
0x54: {  	[tilespmem:$0xA970] =	vst v0  }
0x55: {  	[tilespmem:$0xA980] =	vst v0  }
0x56: {  	[tilespmem:$0xA990] =	vst v0  }
0x57: {  	[tilespmem:$0xA9A0] =	vst v0  }
0x58: {  	[tilespmem:$0xA9B0] =	vst v0  }
0x59: {  	[tilespmem:$0xA9C0] =	vst v0  }
0x5a: {  	[tilespmem:$0xA9D0] =	vst v0  }
0x5b: {  	[tilespmem:$0xA9E0] =	vst v0  }
0x5c: {  	[tilespmem:$0xA9F0] =	vst v0  }
0x5d: {  	[tilespmem:$0xAA00] =	vst v0  }
0x5e: {  	[tilespmem:$0xAA10] =	vst v0  }
0x5f: {  	[tilespmem:$0xAA20] =	vst v0  }
0x60: {  	[tilespmem:$0xAA30] =	vst v0  }
0x61: {  	[tilespmem:$0xAA40] =	vst v0  }
0x62: {  	[tilespmem:$0xAA50] =	vst v0  }
0x63: {  	[tilespmem:$0xAA60] =	vst v0  }
0x64: {  	s30 =	rddreg [dreg:$0x10];
	[tilespmem:$0xAA70] =	vst v0  }
0x65: {  	[spmem:s4] =	stream.linear.scatter [tilespmem:s30], [sflag:$0x6], $0x400, $0x38;
	[tilespmem:$0xAE80] =	vst v63  }
0x66: {  	s31 =	rddreg [dreg:$0x9]  }
0x67: {  	[tilespmem:s3], [sflag:$0x1] =	stream.linear.gather [hbm4b:s31+s3], $0x800, $0x38;
	[tilespmem:$0xAE80] =	vst v63  }
0x68: {  	s25 =	rddreg [dreg:$0xa]  }
0x69: {  	[tilespmem:s10], [sflag:$0x2] =	stream.linear.gather [hbm4b:s25+s3], $0x2C00, $0x38;
	[tilespmem:$0xAE80] =	vst v63  }
0x6a: {  	s26 =	rddreg [dreg:$0xb]  }
0x6b: {  	[tilespmem:s11], [sflag:$0x3] =	stream.linear.gather [hbm4b:s26+s3], $0x3400, $0x38;
	[tilespmem:$0xAE80] =	vst v63  }
0x6c: {  	s28 =	rddreg [dreg:$0xc]  }
0x6d: {  	[tilespmem:s12], [sflag:$0x4] =	stream.linear.gather [hbm4b:s28+s3], $0x3400, $0x38;
	[tilespmem:$0xAE80] =	vst v63  }
0x6e: {  	s23 =	simm.s32 @!p0 $0x0;
	s24 =	rddreg [dreg:$0xd];
	s25 =	simm.s32 @!p0 $0xA600  }
0x6f: {  	[tilespmem:s25], [sflag:$0x5] =	stream.linear.gather @!p0 [hbm4b:s24+s23], $0x10, $0x38;
	[tilespmem:$0xAE80] =	vst v63  }
0x70: {  	s26 =	rddreg [dreg:$0xe];
	s24 =	simm.s32 @!p0 $0x9E00  }
0x71: {  	[tilespmem:s24], [sflag:$0x2] =	stream.linear.gather @!p0 [hbm4b:s26+s23], $0x800, $0x38;
	[tilespmem:$0xAE80] =	vst v63  }
0x72: {  	_ =	swait.ge [sflag:s13], $0x10  }
0x73: {  	[sflag:s13] =	ssyncset.done $0x0  }
0x74: {  	[sflag:s13] =	ssyncadd.s32 $0xFFFFFFF0  }
0x75: {  	_ =	swait.ge [sflag:s13], $0x58  }
0x76: {  	[sflag:s13] =	ssyncset.done $0x0  }
0x77: {  	[sflag:s13] =	ssyncadd.s32 $0xFFFFFFA8  }
0x78: {  	_ =	swait.ge [sflag:s13], $0x68  }
0x79: {  	[sflag:s13] =	ssyncset.done $0x0  }
0x7a: {  	[sflag:s13] =	ssyncadd.s32 $0xFFFFFF98  }
0x7b: {  	_ =	swait.ge [sflag:s13], $0x68  }
0x7c: {  	[sflag:s13] =	ssyncset.done $0x0  }
0x7d: {  	[sflag:s13] =	ssyncadd.s32 $0xFFFFFF98  }
0x7e: {  	_ =	swait.ge [sflag:s14], $0x400  }
0x7f: {  	[sflag:s14] =	ssyncset.done $0x0  }
0x80: {  	[sflag:s14] =	ssyncadd.s32 $0xFFFFFC00  }
0x81: {  	[bflag:$0x0] =	sbarrier.arrive $0xFFFF  }
0x82: {  	_ =	swait.ge [sflag:s15], $0x800  }
0x83: {  	[sflag:s15] =	ssyncset.done $0x0  }
0x84: {  	[sflag:s15] =	ssyncadd.s32 $0xFFFFF800  }
0x85: {  	[spmem:s2] =	stream.indirect.scatter.add.f32 [tilespmem:s3], [sflag:$0x6], $0x80, s6, s16, $0xb8;
	[tilespmem:$0xAE80] =	vst v63  }
0x86: {  	_ =	swait.ge [sflag:s17], $0x2C00  }
0x87: {  	[sflag:s17] =	ssyncset.done $0x0  }
0x88: {  	[sflag:s17] =	ssyncadd.s32 $0xFFFFD400  }
0x89: {  	[spmem:s2] =	stream.indirect.scatter.add.f32 [tilespmem:s10], [sflag:$0x6], $0x80, s7, s18, $0xb8;
	[tilespmem:$0xAE80] =	vst v63  }
0x8a: {  	_ =	swait.ge [sflag:s19], $0x3400  }
0x8b: {  	[sflag:s19] =	ssyncset.done $0x0  }
0x8c: {  	[sflag:s19] =	ssyncadd.s32 $0xFFFFCC00  }
0x8d: {  	[spmem:s2] =	stream.indirect.scatter.add.f32 [tilespmem:s11], [sflag:$0x6], $0x80, s8, s20, $0xb8;
	[tilespmem:$0xAE80] =	vst v63  }
0x8e: {  	_ =	swait.ge [sflag:s21], $0x3400  }
0x8f: {  	[sflag:s21] =	ssyncset.done $0x0  }
0x90: {  	s23 =	simm.s32 @!p0 $0x5;
	[sflag:s21] =	ssyncadd.s32 $0xFFFFCC00  }
0x91: {  	[spmem:s2] =	stream.indirect.scatter.add.f32 [tilespmem:s12], [sflag:$0x6], $0x80, s9, s20, $0xb8;
	[tilespmem:$0xAE80] =	vst v63  }
0x92: {  	_ =	swait.ge @!p0 [sflag:s23], $0x10  }
0x93: {  	[sflag:s23] =	ssyncset.done @!p0 $0x0  }
0x94: {  	[sflag:s23] =	ssyncadd.s32 @!p0 $0xFFFFFFF0;
	s23 =	simm.s32 @!p0 $0x2  }
0x95: {  	_ =	swait.ge @!p0 [sflag:s23], $0x800  }
0x96: {  	[sflag:s23] =	ssyncset.done @!p0 $0x0  }
0x97: {  	[sflag:s23] =	ssyncadd.s32 @!p0 $0xFFFFF800;
	s23 =	simm.s32 @!p0 $0x10  }
0x98: {  	[spmem:s2] =	stream.indirect.scatter.add.f32 @!p0 [tilespmem:s24], [sflag:$0x7], $0x80, s25, s23, $0xb8;
	[tilespmem:$0xAE80] =	vst v63  }
0x99: {  	s23 =	simm.s32 @!p0 $0x7  }
0x9a: {  	_ =	swait.ge @!p0 [sflag:s23], $0x800  }
0x9b: {  	[sflag:s23] =	ssyncset.done @!p0 $0x0  }
0x9c: {  	[sflag:s23] =	ssyncadd.s32 @!p0 $0xFFFFF800  }
0x9d: {  	_ =	swait.ge [sflag:s14], $0x800  }
0x9e: {  	[sflag:s14] =	ssyncset.done $0x0  }
0x9f: {  	[sflag:s14] =	ssyncadd.s32 $0xFFFFF800  }
0xa0: {  	_ =	swait.ge [sflag:s14], $0x2C00  }
0xa1: {  	[sflag:s14] =	ssyncset.done $0x0  }
0xa2: {  	[sflag:s14] =	ssyncadd.s32 $0xFFFFD400  }
0xa3: {  	_ =	swait.ge [sflag:s14], $0x3400  }
0xa4: {  	[sflag:s14] =	ssyncset.done $0x0  }
0xa5: {  	[sflag:s14] =	ssyncadd.s32 $0xFFFFCC00  }
0xa6: {  	_ =	swait.ge [sflag:s14], $0x3400  }
0xa7: {  	s5 =	sadd.s32 $0xFFFFFFFF, s5;
	[sflag:s14] =	ssyncset.done $0x0  }
0xa8: {  	p1 =	sne.s32 s5, $0x0;
	[sflag:s14] =	ssyncadd.s32 $0xFFFFCC00  }
0xa9: {  	s30 =	sshll.u32 s0, $0x6;
	s31 =	sshrl.u32 s4, $0x3;
	[bflag:$0x0] =	sbarrier.arrive $0xFFFF  }
.Ltmp0:
0xaa: {  	s24 =	sor.u32 $0x1C07, s30;
	s29 =	rddreg [dreg:$0xf];
	(pc) =	sbr.rel @p1 .LBB2_1-.Ltmp0, $4  }
0xab: {  	[hbm:s29], [sflag:s24] =	dma.local [spmem:s31], $0x80  }
0xac: {  	_ =	swait.ge [sflag:s22], $0x80  }
0xad: {  	[sflag:s22] =	ssyncset.done $0x0  }
0xae: {  	[sflag:s22] =	ssyncadd.s32 $0xFFFFFF80  }
0xaf: {  	_ =	sfence.sel $0x180000  }
0xb0: {  	[bflag:$0x0] =	sbarrier.arrive $0xFFFF  }
0xb1: {  	p0 =	sne.s32 s0, $0x0;
	_ =	strace $0x90000047  }
0xb2: {  	s0 =	sadd.s32 @!p0 $0x100000, s1;
	[bflag:$0x2] =	sbarrier.arrive $0xFFFF  }
0xb3: {  	[sflag:s0] =	ssyncadd.tile.s32 @!p0 $0x1;
	_ =	shalt  }
.Lfunc_end2:
_tile_overlayer_lowered:
.L_overlay_start_2:
0xb4: {  	(tag) =	ssettag $0x2  }
0xb5: {  	s0 =	rddreg [dreg:$0x0];
	s2 =	stileid.u32  }
0xb6: {  	s1 =	rddreg [dreg:$0x1];
	p0 =	sne.s32 s2, $0x0  }
0xb7: {  	s3 =	rddreg [dreg:$0x2];
	[bflag:$0x3] =	sbarrier.arrive $0xFFFF;
	s2 =	simm.s32 @!p0 $0x1C07  }
0xb8: {  	[timem:s3], [sflag:s2] =	dma.local @!p0 [hbm:s0], s1  }
0xb9: {  	s0 =	simm.s32 @!p0 $0x7  }
0xba: {  	_ =	swait.ge @!p0 [sflag:s0], s1  }
0xbb: {  	s1 =	ssub.s32 @!p0 $0x0, s1;
	[sflag:s0] =	ssyncset.done @!p0 $0x0  }
0xbc: {  	[sflag:s0] =	ssyncadd.s32 @!p0 s1  }
0xbd: {  	[bflag:$0x3] =	sbarrier.arrive $0xFFFF  }
0xbe: {  	_ =	shalt  }

</sc_bundles>
